<compile_context>
chip_gen: v7x
topology: tpu7x:2x2x1
jax: 0.10.2.dev20260603
libtpu: 0.0.44.dev20260713+nightly
codegen_flags: <defaults>
</compile_context>

<pallas_src>
import functools

import jax
import jax.numpy as jnp
from jax import lax
from jax.experimental import pallas as pl
from jax.experimental.pallas import tpu as pltpu
from jax.experimental.pallas import tpu_sc as plsc

MAX_WEEKS = 160
EMBED_DIM = 64
BATCH = 16384
HIST = 200

N = BATCH * HIST
NC, NS = 2, 16
NW = NC * NS
BATCH_PER_W = BATCH // NW
DESC = 100
IDX_PAD = 128
K = 4
ROWS_PER = K * HIST // DESC
N_ITER = BATCH_PER_W // K
NBUF = 2
N_OUTER = N_ITER // NBUF
N_IDX_ROWS = N // DESC

_mesh = plsc.VectorSubcoreMesh(core_axis_name="c", subcore_axis_name="s")


@functools.partial(
    pl.kernel,
    out_type=jax.ShapeDtypeStruct((BATCH, HIST, 2 * EMBED_DIM), jnp.float32),
    mesh=_mesh,
    scratch_types=[
        pltpu.VMEM((NBUF, ROWS_PER, IDX_PAD), jnp.int32),
        pltpu.VMEM((NBUF, K, HIST, EMBED_DIM), jnp.float32),
        pltpu.VMEM_SHARED((MAX_WEEKS, EMBED_DIM), jnp.float32),
        pltpu.SemaphoreType.DMA,
        pltpu.SemaphoreType.DMA,
        pltpu.SemaphoreType.DMA,
        pltpu.SemaphoreType.DMA,
    ],
    compiler_params=pltpu.CompilerParams(use_tc_tiling_on_sc=False),
)
def _gather_kernel(idx_hbm, table_hbm, out_hbm, idx_v, rows_v, table_v,
                   isem, gsem, osem_a, osem_b):
    wid = lax.axis_index("s") * NC + lax.axis_index("c")

    @pl.when(lax.axis_index("s") == 0)
    def _stage_table():
        pltpu.sync_copy(table_hbm, table_v)

    plsc.subcore_barrier()

    base_irow = wid * (BATCH_PER_W * HIST // DESC)
    base_batch = wid * BATCH_PER_W
    osems = [osem_a, osem_b]

    pltpu.async_copy(idx_hbm.at[pl.ds(base_irow, ROWS_PER)], idx_v.at[0], isem)

    def outer(o, carry):
        for b in range(NBUF):
            t = NBUF * o + b
            pltpu.make_async_copy(
                idx_hbm.at[pl.ds(0, ROWS_PER)], idx_v.at[b], isem
            ).wait()

            @pl.when(t + 1 < N_ITER)
            def _prefetch():
                irow = base_irow + (t + 1) * ROWS_PER
                pltpu.async_copy(
                    idx_hbm.at[pl.ds(irow, ROWS_PER)], idx_v.at[1 - b], isem
                )

            @pl.when(t >= NBUF)
            def _drain_prev_out():
                pltpu.make_async_copy(
                    rows_v.at[b],
                    out_hbm.at[pl.ds(0, K), :, pl.ds(0, EMBED_DIM)],
                    osems[b],
                ).wait()

            handles = [
                pltpu.async_copy(
                    table_v.at[idx_v.at[b].at[j].at[pl.ds(0, DESC)]],
                    rows_v.at[b].at[j // 2].at[pl.ds((j % 2) * DESC, DESC)],
                    gsem,
                )
                for j in range(ROWS_PER)
            ]
            for h in handles:
                h.wait()

            pltpu.async_copy(
                rows_v.at[b],
                out_hbm.at[
                    pl.ds(base_batch + t * K, K), :, pl.ds(0, EMBED_DIM)
                ],
                osems[b],
            )
        return carry

    lax.fori_loop(0, N_OUTER, outer, 0)

    for b in range(NBUF):
        pltpu.make_async_copy(
            rows_v.at[b],
            out_hbm.at[pl.ds(0, K), :, pl.ds(0, EMBED_DIM)],
            osems[b],
        ).wait()


def kernel(week_numbers, week_embed):
    idx = week_numbers.reshape(N_IDX_ROWS, DESC).astype(jnp.int32)
    idx = jnp.pad(idx, ((0, 0), (0, IDX_PAD - DESC)))
    out = _gather_kernel(idx, week_embed)
    return out[:, :, :EMBED_DIM]

# --- scband reference (transcript-rebuilt; emitter-appended) ---
"""Pipeline reference for scband-temporal-encoder-62448824484456 (READ-ONLY COPY).

The authoritative reference and input builder live on the scoring server;
editing this copy changes nothing except your own understanding.
"""

import jax, jax.numpy as jnp
import numpy as np

MAX_WEEKS = 160
EMBED_DIM = 64
BATCH = 16384
HIST = 200

def setup_inputs(seed: int = 0) -> dict:
    key = jax.random.key(seed)
    k_idx, k_w = jax.random.split(key)
    week_numbers = jax.random.randint(k_idx, (BATCH, HIST), 0, MAX_WEEKS, dtype=jnp.int64 if jax.config.jax_enable_x64 else jnp.int32)
    week_embed = jax.random.normal(k_w, (MAX_WEEKS, EMBED_DIM), dtype=jnp.float32)
    return {"week_numbers": week_numbers, "week_embed": week_embed}

def reference(week_numbers, week_embed):
    # nn.Embedding lookup: table[idx]
    return jnp.take(week_embed, week_numbers, axis=0)

if __name__ == "__main__":
    import jax
    _d = setup_inputs()
    print(jax.jit(kernel)(*tuple(_d.values())))

</pallas_src>

<mosaic_0001>
#map = affine_map<(d0, d1) -> (0, 0)>
#map1 = affine_map<(d0, d1) -> (0, 0, 0)>
module attributes {stable_mosaic.version = 14 : i64} {
  func.func @_gather_kernel(%arg0: i32, %arg1: i32, %arg2: memref<32768x128xi32, #tpu.memory_space<hbm>>, %arg3: memref<160x64xf32, #tpu.memory_space<hbm>>, %arg4: memref<16384x200x128xf32, #tpu.memory_space<hbm>>, %arg5: memref<2x8x128xi32, #tpu.memory_space<vmem>>, %arg6: memref<2x4x200x64xf32, #tpu.memory_space<vmem>>, %arg7: memref<160x64xf32, #tpu.memory_space<vmem_shared>>, %arg8: memref<!tpu.dma_semaphore, #tpu.memory_space<semaphore_mem>>, %arg9: memref<!tpu.dma_semaphore, #tpu.memory_space<semaphore_mem>>, %arg10: memref<!tpu.dma_semaphore, #tpu.memory_space<semaphore_mem>>, %arg11: memref<!tpu.dma_semaphore, #tpu.memory_space<semaphore_mem>>) attributes {dimension_semantics = [#tpu.dimension_semantics<core_parallel>, #tpu.dimension_semantics<subcore_parallel>], iteration_bounds = array<i64: 2, 16>, scalar_prefetch = 0 : i64, scratch_operands = 7 : i64, tpu.core_type = #tpu.core_type<sc_vector_subcore>, window_params = [{transform_indices = #map}, {transform_indices = #map}, {transform_indices = #map1}]} {
    %mul3A = arith.constant 2 : i32
    %mul3A_0 = arith.muli %arg1, %mul3A : i32
    %add3A = arith.addi %mul3A_0, %arg0 : i32
    %eq3A = arith.constant 0 : i32
    %eq3A_1 = arith.cmpi eq, %arg1, %eq3A : i32
    %convert_element_type3A = arith.extui %eq3A_1 : i1 to i32
    %cond3A = arith.constant 0 : i32
    %cond3A_2 = arith.cmpi ne, %convert_element_type3A, %cond3A : i32
    scf.if %cond3A_2 {
      "tpu.region"() ({
        %run_scoped3A = tpu.sem_alloc : memref<!tpu.dma_semaphore, #tpu.memory_space<semaphore_mem>>
        tpu.enqueue_dma source(%arg3 : memref<160x64xf32, #tpu.memory_space<hbm>>) target(%arg7 : memref<160x64xf32, #tpu.memory_space<vmem_shared>>) target_semaphore(%run_scoped3A : memref<!tpu.dma_semaphore, #tpu.memory_space<semaphore_mem>>)
        tpu.wait_dma2 semaphore(%run_scoped3A : memref<!tpu.dma_semaphore, #tpu.memory_space<semaphore_mem>>) src(%arg3 : memref<160x64xf32, #tpu.memory_space<hbm>>) dst(%arg7 : memref<160x64xf32, #tpu.memory_space<vmem_shared>>)
        tpu.yield
      }) : () -> ()
    } else {
    }
    %barrier3A = arith.constant 0 : index
    tpu.barrier barrier_id(%barrier3A)
    %mul3A_3 = arith.constant 1024 : i32
    %mul3A_4 = arith.muli %add3A, %mul3A_3 : i32
    %mul3A_5 = arith.constant 512 : i32
    %mul3A_6 = arith.muli %add3A, %mul3A_5 : i32
    %dma_start3A = arith.constant 0 : i32
    %dma_start3A_7 = arith.constant 0 : i32
    %dma_start3A_8 = arith.constant 0 : i32
    %dma_start3A_9 = tpu.memref_slice %arg5[%dma_start3A, %dma_start3A_7, %dma_start3A_8] : memref<2x8x128xi32, #tpu.memory_space<vmem>> -> memref<1x8x128xi32, #tpu.memory_space<vmem>>
    %dma_start3A_10 = tpu.memref_squeeze %dma_start3A_9 : memref<1x8x128xi32, #tpu.memory_space<vmem>> -> memref<8x128xi32, #tpu.memory_space<vmem>>
    %dma_start3A_11 = arith.constant 0 : i32
    %dma_start3A_12 = tpu.memref_slice %arg2[%mul3A_4, %dma_start3A_11] : memref<32768x128xi32, #tpu.memory_space<hbm>> -> memref<8x128xi32, #tpu.memory_space<hbm>>
    %dma_start3A_13 = arith.constant 0 : i32
    %dma_start3A_14 = arith.constant 0 : i32
    %dma_start3A_15 = tpu.memref_slice %arg5[%dma_start3A, %dma_start3A_13, %dma_start3A_14] : memref<2x8x128xi32, #tpu.memory_space<vmem>> -> memref<1x8x128xi32, #tpu.memory_space<vmem>>
    %dma_start3A_16 = tpu.memref_squeeze %dma_start3A_15 : memref<1x8x128xi32, #tpu.memory_space<vmem>> -> memref<8x128xi32, #tpu.memory_space<vmem>>
    %dma_start3A_17 = arith.constant 0 : i32
    %dma_start3A_18 = tpu.memref_slice %arg2[%mul3A_4, %dma_start3A_17] : memref<32768x128xi32, #tpu.memory_space<hbm>> -> memref<8x128xi32, #tpu.memory_space<hbm>>
    tpu.enqueue_dma source(%dma_start3A_18 : memref<8x128xi32, #tpu.memory_space<hbm>>) target(%dma_start3A_16 : memref<8x128xi32, #tpu.memory_space<vmem>>) target_semaphore(%arg8 : memref<!tpu.dma_semaphore, #tpu.memory_space<semaphore_mem>>)
    %scan3A = arith.constant 0 : i32
    %scan3A_19 = arith.constant 0 : i32
    %scan3A_20 = arith.constant 64 : i32
    %scan3A_21 = arith.addi %scan3A_19, %scan3A_20 : i32
    %scan3A_22 = arith.constant 1 : i32
    scf.for %scan3A_61 = %scan3A_19 to %scan3A_21 step %scan3A_22  : i32 {
      %mul3A_62 = arith.constant 2 : i32
      %mul3A_63 = arith.muli %mul3A_62, %scan3A_61 : i32
      %add3A_64 = arith.constant 0 : i32
      %add3A_65 = arith.addi %mul3A_63, %add3A_64 : i32
      %dma_wait3A_66 = arith.constant 0 : i32
      %dma_wait3A_67 = arith.constant 0 : i32
      %dma_wait3A_68 = arith.constant 0 : i32
      %dma_wait3A_69 = tpu.memref_slice %arg5[%dma_wait3A_66, %dma_wait3A_67, %dma_wait3A_68] : memref<2x8x128xi32, #tpu.memory_space<vmem>> -> memref<1x8x128xi32, #tpu.memory_space<vmem>>
      %dma_wait3A_70 = tpu.memref_squeeze %dma_wait3A_69 : memref<1x8x128xi32, #tpu.memory_space<vmem>> -> memref<8x128xi32, #tpu.memory_space<vmem>>
      %dma_wait3A_71 = arith.constant 0 : i32
      %dma_wait3A_72 = arith.constant 0 : i32
      %dma_wait3A_73 = tpu.memref_slice %arg2[%dma_wait3A_71, %dma_wait3A_72] : memref<32768x128xi32, #tpu.memory_space<hbm>> -> memref<8x128xi32, #tpu.memory_space<hbm>>
      %dma_wait3A_74 = arith.constant 0 : i32
      %dma_wait3A_75 = arith.constant 0 : i32
      %dma_wait3A_76 = tpu.memref_slice %arg5[%dma_wait3A_66, %dma_wait3A_74, %dma_wait3A_75] : memref<2x8x128xi32, #tpu.memory_space<vmem>> -> memref<1x8x128xi32, #tpu.memory_space<vmem>>
      %dma_wait3A_77 = tpu.memref_squeeze %dma_wait3A_76 : memref<1x8x128xi32, #tpu.memory_space<vmem>> -> memref<8x128xi32, #tpu.memory_space<vmem>>
      %dma_wait3A_78 = arith.constant 0 : i32
      %dma_wait3A_79 = arith.constant 0 : i32
      %dma_wait3A_80 = tpu.memref_slice %arg2[%dma_wait3A_78, %dma_wait3A_79] : memref<32768x128xi32, #tpu.memory_space<hbm>> -> memref<8x128xi32, #tpu.memory_space<hbm>>
      tpu.wait_dma2 semaphore(%arg8 : memref<!tpu.dma_semaphore, #tpu.memory_space<semaphore_mem>>) src(%dma_wait3A_80 : memref<8x128xi32, #tpu.memory_space<hbm>>) dst(%dma_wait3A_77 : memref<8x128xi32, #tpu.memory_space<vmem>>)
      %add3A_81 = arith.constant 1 : i32
      %add3A_82 = arith.addi %add3A_65, %add3A_81 : i32
      %lt3A = arith.constant 128 : i32
      %lt3A_83 = arith.cmpi slt, %add3A_82, %lt3A : i32
      %convert_element_type3A_84 = arith.extui %lt3A_83 : i1 to i32
      %cond3A_85 = arith.constant 0 : i32
      %cond3A_86 = arith.cmpi ne, %convert_element_type3A_84, %cond3A_85 : i32
      scf.if %cond3A_86 {
        %add3A_1058 = arith.constant 1 : i32
        %add3A_1059 = arith.addi %add3A_65, %add3A_1058 : i32
        %mul3A_1060 = arith.constant 8 : i32
        %mul3A_1061 = arith.muli %add3A_1059, %mul3A_1060 : i32
        %add3A_1062 = arith.addi %mul3A_4, %mul3A_1061 : i32
        %dma_start3A_1063 = arith.constant 1 : i32
        %dma_start3A_1064 = arith.constant 0 : i32
        %dma_start3A_1065 = arith.constant 0 : i32
        %dma_start3A_1066 = tpu.memref_slice %arg5[%dma_start3A_1063, %dma_start3A_1064, %dma_start3A_1065] : memref<2x8x128xi32, #tpu.memory_space<vmem>> -> memref<1x8x128xi32, #tpu.memory_space<vmem>>
        %dma_start3A_1067 = tpu.memref_squeeze %dma_start3A_1066 : memref<1x8x128xi32, #tpu.memory_space<vmem>> -> memref<8x128xi32, #tpu.memory_space<vmem>>
        %dma_start3A_1068 = arith.constant 0 : i32
        %dma_start3A_1069 = tpu.memref_slice %arg2[%add3A_1062, %dma_start3A_1068] : memref<32768x128xi32, #tpu.memory_space<hbm>> -> memref<8x128xi32, #tpu.memory_space<hbm>>
        %dma_start3A_1070 = arith.constant 0 : i32
        %dma_start3A_1071 = arith.constant 0 : i32
        %dma_start3A_1072 = tpu.memref_slice %arg5[%dma_start3A_1063, %dma_start3A_1070, %dma_start3A_1071] : memref<2x8x128xi32, #tpu.memory_space<vmem>> -> memref<1x8x128xi32, #tpu.memory_space<vmem>>
        %dma_start3A_1073 = tpu.memref_squeeze %dma_start3A_1072 : memref<1x8x128xi32, #tpu.memory_space<vmem>> -> memref<8x128xi32, #tpu.memory_space<vmem>>
        %dma_start3A_1074 = arith.constant 0 : i32
        %dma_start3A_1075 = tpu.memref_slice %arg2[%add3A_1062, %dma_start3A_1074] : memref<32768x128xi32, #tpu.memory_space<hbm>> -> memref<8x128xi32, #tpu.memory_space<hbm>>
        tpu.enqueue_dma source(%dma_start3A_1075 : memref<8x128xi32, #tpu.memory_space<hbm>>) target(%dma_start3A_1073 : memref<8x128xi32, #tpu.memory_space<vmem>>) target_semaphore(%arg8 : memref<!tpu.dma_semaphore, #tpu.memory_space<semaphore_mem>>)
      } else {
      }
      %ge3A = arith.constant 2 : i32
      %ge3A_87 = arith.cmpi sge, %add3A_65, %ge3A : i32
      %convert_element_type3A_88 = arith.extui %ge3A_87 : i1 to i32
      %cond3A_89 = arith.constant 0 : i32
      %cond3A_90 = arith.cmpi ne, %convert_element_type3A_88, %cond3A_89 : i32
      scf.if %cond3A_90 {
        %dma_wait3A_1058 = arith.constant 0 : i32
        %dma_wait3A_1059 = arith.constant 0 : i32
        %dma_wait3A_1060 = arith.constant 0 : i32
        %dma_wait3A_1061 = arith.constant 0 : i32
        %dma_wait3A_1062 = tpu.memref_slice %arg6[%dma_wait3A_1058, %dma_wait3A_1059, %dma_wait3A_1060, %dma_wait3A_1061] : memref<2x4x200x64xf32, #tpu.memory_space<vmem>> -> memref<1x4x200x64xf32, #tpu.memory_space<vmem>>
        %dma_wait3A_1063 = tpu.memref_squeeze %dma_wait3A_1062 : memref<1x4x200x64xf32, #tpu.memory_space<vmem>> -> memref<4x200x64xf32, #tpu.memory_space<vmem>>
        %dma_wait3A_1064 = arith.constant 0 : i32
        %dma_wait3A_1065 = arith.constant 0 : i32
        %dma_wait3A_1066 = arith.constant 0 : i32
        %dma_wait3A_1067 = tpu.memref_slice %arg4[%dma_wait3A_1064, %dma_wait3A_1065, %dma_wait3A_1066] : memref<16384x200x128xf32, #tpu.memory_space<hbm>> -> memref<4x200x64xf32, #tpu.memory_space<hbm>>
        %dma_wait3A_1068 = arith.constant 0 : i32
        %dma_wait3A_1069 = arith.constant 0 : i32
        %dma_wait3A_1070 = arith.constant 0 : i32
        %dma_wait3A_1071 = tpu.memref_slice %arg4[%dma_wait3A_1068, %dma_wait3A_1069, %dma_wait3A_1070] : memref<16384x200x128xf32, #tpu.memory_space<hbm>> -> memref<4x200x64xf32, #tpu.memory_space<hbm>>
        %dma_wait3A_1072 = arith.constant 0 : i32
        %dma_wait3A_1073 = arith.constant 0 : i32
        %dma_wait3A_1074 = arith.constant 0 : i32
        %dma_wait3A_1075 = tpu.memref_slice %arg6[%dma_wait3A_1058, %dma_wait3A_1072, %dma_wait3A_1073, %dma_wait3A_1074] : memref<2x4x200x64xf32, #tpu.memory_space<vmem>> -> memref<1x4x200x64xf32, #tpu.memory_space<vmem>>
        %dma_wait3A_1076 = tpu.memref_squeeze %dma_wait3A_1075 : memref<1x4x200x64xf32, #tpu.memory_space<vmem>> -> memref<4x200x64xf32, #tpu.memory_space<vmem>>
        tpu.wait_dma2 semaphore(%arg10 : memref<!tpu.dma_semaphore, #tpu.memory_space<semaphore_mem>>) src(%dma_wait3A_1076 : memref<4x200x64xf32, #tpu.memory_space<vmem>>) dst(%dma_wait3A_1071 : memref<4x200x64xf32, #tpu.memory_space<hbm>>)
      } else {
      }
      %dma_start3A_91 = arith.constant 0 : i32
      %dma_start3A_92 = arith.constant 0 : i32
      %dma_start3A_93 = arith.constant 0 : i32
      %dma_start3A_94 = arith.constant 0 : i32
      %dma_start3A_95 = arith.constant 0 : i32
      %dma_start3A_96 = arith.constant 0 : i32
      %dma_start3A_97 = arith.constant 0 : i32
      %dma_start3A_98 = tpu.memref_slice %arg6[%dma_start3A_93, %dma_start3A_95, %dma_start3A_96, %dma_start3A_97] : memref<2x4x200x64xf32, #tpu.memory_space<vmem>> -> memref<1x4x200x64xf32, #tpu.memory_space<vmem>>
      %dma_start3A_99 = tpu.memref_squeeze %dma_start3A_98 : memref<1x4x200x64xf32, #tpu.memory_space<vmem>> -> memref<4x200x64xf32, #tpu.memory_space<vmem>>
      %dma_start3A_100 = arith.constant 0 : i32
      %dma_start3A_101 = arith.constant 0 : i32
      %dma_start3A_102 = tpu.memref_slice %dma_start3A_99[%dma_start3A_94, %dma_start3A_100, %dma_start3A_101] : memref<4x200x64xf32, #tpu.memory_space<vmem>> -> memref<1x200x64xf32, #tpu.memory_space<vmem>>
      %dma_start3A_103 = tpu.memref_squeeze %dma_start3A_102 : memref<1x200x64xf32, #tpu.memory_space<vmem>> -> memref<200x64xf32, #tpu.memory_space<vmem>>
      %dma_start3A_104 = arith.constant 0 : i32
      %dma_start3A_105 = arith.constant 0 : i32
      %dma_start3A_106 = tpu.memref_slice %dma_start3A_103[%dma_start3A_104, %dma_start3A_105] : memref<200x64xf32, #tpu.memory_space<vmem>> -> memref<100x64xf32, #tpu.memory_space<vmem>>
      %dma_start3A_107 = arith.constant 0 : i32
      %dma_start3A_108 = arith.constant 0 : i32
      %dma_start3A_109 = tpu.memref_slice %arg5[%dma_start3A_91, %dma_start3A_107, %dma_start3A_108] : memref<2x8x128xi32, #tpu.memory_space<vmem>> -> memref<1x8x128xi32, #tpu.memory_space<vmem>>
      %dma_start3A_110 = tpu.memref_squeeze %dma_start3A_109 : memref<1x8x128xi32, #tpu.memory_space<vmem>> -> memref<8x128xi32, #tpu.memory_space<vmem>>
      %dma_start3A_111 = arith.constant 0 : i32
      %dma_start3A_112 = tpu.memref_slice %dma_start3A_110[%dma_start3A_92, %dma_start3A_111] : memref<8x128xi32, #tpu.memory_space<vmem>> -> memref<1x128xi32, #tpu.memory_space<vmem>>
      %dma_start3A_113 = tpu.memref_squeeze %dma_start3A_112 : memref<1x128xi32, #tpu.memory_space<vmem>> -> memref<128xi32, #tpu.memory_space<vmem>>
      %dma_start3A_114 = arith.constant 0 : i32
      %dma_start3A_115 = tpu.memref_slice %dma_start3A_113[%dma_start3A_114] : memref<128xi32, #tpu.memory_space<vmem>> -> memref<100xi32, #tpu.memory_space<vmem>>
      %dma_start3A_116 = arith.constant 0 : i32
      %dma_start3A_117 = arith.constant 0 : i32
      %dma_start3A_118 = tpu.memref_slice %arg7[%dma_start3A_116, %dma_start3A_117] : memref<160x64xf32, #tpu.memory_space<vmem_shared>> -> memref<160x64xf32, #tpu.memory_space<vmem_shared>>
      tpu.enqueue_indirect_dma source(%dma_start3A_118 : memref<160x64xf32, #tpu.memory_space<vmem_shared>>) target(%dma_start3A_106 : memref<100x64xf32, #tpu.memory_space<vmem>>) offsets(%dma_start3A_115 : memref<100xi32, #tpu.memory_space<vmem>>) semaphore(%arg9 : memref<!tpu.dma_semaphore, #tpu.memory_space<semaphore_mem>>)
      %dma_start3A_119 = arith.constant 0 : i32
      %dma_start3A_120 = arith.constant 1 : i32
      %dma_start3A_121 = arith.constant 0 : i32
      %dma_start3A_122 = arith.constant 0 : i32
      %dma_start3A_123 = arith.constant 0 : i32
      %dma_start3A_124 = arith.constant 0 : i32
      %dma_start3A_125 = arith.constant 0 : i32
      %dma_start3A_126 = tpu.memref_slice %arg6[%dma_start3A_121, %dma_start3A_123, %dma_start3A_124, %dma_start3A_125] : memref<2x4x200x64xf32, #tpu.memory_space<vmem>> -> memref<1x4x200x64xf32, #tpu.memory_space<vmem>>
      %dma_start3A_127 = tpu.memref_squeeze %dma_start3A_126 : memref<1x4x200x64xf32, #tpu.memory_space<vmem>> -> memref<4x200x64xf32, #tpu.memory_space<vmem>>
      %dma_start3A_128 = arith.constant 0 : i32
      %dma_start3A_129 = arith.constant 0 : i32
      %dma_start3A_130 = tpu.memref_slice %dma_start3A_127[%dma_start3A_122, %dma_start3A_128, %dma_start3A_129] : memref<4x200x64xf32, #tpu.memory_space<vmem>> -> memref<1x200x64xf32, #tpu.memory_space<vmem>>
      %dma_start3A_131 = tpu.memref_squeeze %dma_start3A_130 : memref<1x200x64xf32, #tpu.memory_space<vmem>> -> memref<200x64xf32, #tpu.memory_space<vmem>>
      %dma_start3A_132 = arith.constant 100 : i32
      %dma_start3A_133 = arith.constant 0 : i32
      %dma_start3A_134 = tpu.memref_slice %dma_start3A_131[%dma_start3A_132, %dma_start3A_133] : memref<200x64xf32, #tpu.memory_space<vmem>> -> memref<100x64xf32, #tpu.memory_space<vmem>>
      %dma_start3A_135 = arith.constant 0 : i32
      %dma_start3A_136 = arith.constant 0 : i32
      %dma_start3A_137 = tpu.memref_slice %arg5[%dma_start3A_119, %dma_start3A_135, %dma_start3A_136] : memref<2x8x128xi32, #tpu.memory_space<vmem>> -> memref<1x8x128xi32, #tpu.memory_space<vmem>>
      %dma_start3A_138 = tpu.memref_squeeze %dma_start3A_137 : memref<1x8x128xi32, #tpu.memory_space<vmem>> -> memref<8x128xi32, #tpu.memory_space<vmem>>
      %dma_start3A_139 = arith.constant 0 : i32
      %dma_start3A_140 = tpu.memref_slice %dma_start3A_138[%dma_start3A_120, %dma_start3A_139] : memref<8x128xi32, #tpu.memory_space<vmem>> -> memref<1x128xi32, #tpu.memory_space<vmem>>
      %dma_start3A_141 = tpu.memref_squeeze %dma_start3A_140 : memref<1x128xi32, #tpu.memory_space<vmem>> -> memref<128xi32, #tpu.memory_space<vmem>>
      %dma_start3A_142 = arith.constant 0 : i32
      %dma_start3A_143 = tpu.memref_slice %dma_start3A_141[%dma_start3A_142] : memref<128xi32, #tpu.memory_space<vmem>> -> memref<100xi32, #tpu.memory_space<vmem>>
      %dma_start3A_144 = arith.constant 0 : i32
      %dma_start3A_145 = arith.constant 0 : i32
      %dma_start3A_146 = tpu.memref_slice %arg7[%dma_start3A_144, %dma_start3A_145] : memref<160x64xf32, #tpu.memory_space<vmem_shared>> -> memref<160x64xf32, #tpu.memory_space<vmem_shared>>
      tpu.enqueue_indirect_dma source(%dma_start3A_146 : memref<160x64xf32, #tpu.memory_space<vmem_shared>>) target(%dma_start3A_134 : memref<100x64xf32, #tpu.memory_space<vmem>>) offsets(%dma_start3A_143 : memref<100xi32, #tpu.memory_space<vmem>>) semaphore(%arg9 : memref<!tpu.dma_semaphore, #tpu.memory_space<semaphore_mem>>)
      %dma_start3A_147 = arith.constant 0 : i32
      %dma_start3A_148 = arith.constant 2 : i32
      %dma_start3A_149 = arith.constant 0 : i32
      %dma_start3A_150 = arith.constant 1 : i32
      %dma_start3A_151 = arith.constant 0 : i32
      %dma_start3A_152 = arith.constant 0 : i32
      %dma_start3A_153 = arith.constant 0 : i32
      %dma_start3A_154 = tpu.memref_slice %arg6[%dma_start3A_149, %dma_start3A_151, %dma_start3A_152, %dma_start3A_153] : memref<2x4x200x64xf32, #tpu.memory_space<vmem>> -> memref<1x4x200x64xf32, #tpu.memory_space<vmem>>
      %dma_start3A_155 = tpu.memref_squeeze %dma_start3A_154 : memref<1x4x200x64xf32, #tpu.memory_space<vmem>> -> memref<4x200x64xf32, #tpu.memory_space<vmem>>
      %dma_start3A_156 = arith.constant 0 : i32
      %dma_start3A_157 = arith.constant 0 : i32
      %dma_start3A_158 = tpu.memref_slice %dma_start3A_155[%dma_start3A_150, %dma_start3A_156, %dma_start3A_157] : memref<4x200x64xf32, #tpu.memory_space<vmem>> -> memref<1x200x64xf32, #tpu.memory_space<vmem>>
      %dma_start3A_159 = tpu.memref_squeeze %dma_start3A_158 : memref<1x200x64xf32, #tpu.memory_space<vmem>> -> memref<200x64xf32, #tpu.memory_space<vmem>>
      %dma_start3A_160 = arith.constant 0 : i32
      %dma_start3A_161 = arith.constant 0 : i32
      %dma_start3A_162 = tpu.memref_slice %dma_start3A_159[%dma_start3A_160, %dma_start3A_161] : memref<200x64xf32, #tpu.memory_space<vmem>> -> memref<100x64xf32, #tpu.memory_space<vmem>>
      %dma_start3A_163 = arith.constant 0 : i32
      %dma_start3A_164 = arith.constant 0 : i32
      %dma_start3A_165 = tpu.memref_slice %arg5[%dma_start3A_147, %dma_start3A_163, %dma_start3A_164] : memref<2x8x128xi32, #tpu.memory_space<vmem>> -> memref<1x8x128xi32, #tpu.memory_space<vmem>>
      %dma_start3A_166 = tpu.memref_squeeze %dma_start3A_165 : memref<1x8x128xi32, #tpu.memory_space<vmem>> -> memref<8x128xi32, #tpu.memory_space<vmem>>
      %dma_start3A_167 = arith.constant 0 : i32
      %dma_start3A_168 = tpu.memref_slice %dma_start3A_166[%dma_start3A_148, %dma_start3A_167] : memref<8x128xi32, #tpu.memory_space<vmem>> -> memref<1x128xi32, #tpu.memory_space<vmem>>
      %dma_start3A_169 = tpu.memref_squeeze %dma_start3A_168 : memref<1x128xi32, #tpu.memory_space<vmem>> -> memref<128xi32, #tpu.memory_space<vmem>>
      %dma_start3A_170 = arith.constant 0 : i32
      %dma_start3A_171 = tpu.memref_slice %dma_start3A_169[%dma_start3A_170] : memref<128xi32, #tpu.memory_space<vmem>> -> memref<100xi32, #tpu.memory_space<vmem>>
      %dma_start3A_172 = arith.constant 0 : i32
      %dma_start3A_173 = arith.constant 0 : i32
      %dma_start3A_174 = tpu.memref_slice %arg7[%dma_start3A_172, %dma_start3A_173] : memref<160x64xf32, #tpu.memory_space<vmem_shared>> -> memref<160x64xf32, #tpu.memory_space<vmem_shared>>
      tpu.enqueue_indirect_dma source(%dma_start3A_174 : memref<160x64xf32, #tpu.memory_space<vmem_shared>>) target(%dma_start3A_162 : memref<100x64xf32, #tpu.memory_space<vmem>>) offsets(%dma_start3A_171 : memref<100xi32, #tpu.memory_space<vmem>>) semaphore(%arg9 : memref<!tpu.dma_semaphore, #tpu.memory_space<semaphore_mem>>)
      %dma_start3A_175 = arith.constant 0 : i32
      %dma_start3A_176 = arith.constant 3 : i32
      %dma_start3A_177 = arith.constant 0 : i32
      %dma_start3A_178 = arith.constant 1 : i32
      %dma_start3A_179 = arith.constant 0 : i32
      %dma_start3A_180 = arith.constant 0 : i32
      %dma_start3A_181 = arith.constant 0 : i32
      %dma_start3A_182 = tpu.memref_slice %arg6[%dma_start3A_177, %dma_start3A_179, %dma_start3A_180, %dma_start3A_181] : memref<2x4x200x64xf32, #tpu.memory_space<vmem>> -> memref<1x4x200x64xf32, #tpu.memory_space<vmem>>
      %dma_start3A_183 = tpu.memref_squeeze %dma_start3A_182 : memref<1x4x200x64xf32, #tpu.memory_space<vmem>> -> memref<4x200x64xf32, #tpu.memory_space<vmem>>
      %dma_start3A_184 = arith.constant 0 : i32
      %dma_start3A_185 = arith.constant 0 : i32
      %dma_start3A_186 = tpu.memref_slice %dma_start3A_183[%dma_start3A_178, %dma_start3A_184, %dma_start3A_185] : memref<4x200x64xf32, #tpu.memory_space<vmem>> -> memref<1x200x64xf32, #tpu.memory_space<vmem>>
      %dma_start3A_187 = tpu.memref_squeeze %dma_start3A_186 : memref<1x200x64xf32, #tpu.memory_space<vmem>> -> memref<200x64xf32, #tpu.memory_space<vmem>>
      %dma_start3A_188 = arith.constant 100 : i32
      %dma_start3A_189 = arith.constant 0 : i32
      %dma_start3A_190 = tpu.memref_slice %dma_start3A_187[%dma_start3A_188, %dma_start3A_189] : memref<200x64xf32, #tpu.memory_space<vmem>> -> memref<100x64xf32, #tpu.memory_space<vmem>>
      %dma_start3A_191 = arith.constant 0 : i32
      %dma_start3A_192 = arith.constant 0 : i32
      %dma_start3A_193 = tpu.memref_slice %arg5[%dma_start3A_175, %dma_start3A_191, %dma_start3A_192] : memref<2x8x128xi32, #tpu.memory_space<vmem>> -> memref<1x8x128xi32, #tpu.memory_space<vmem>>
      %dma_start3A_194 = tpu.memref_squeeze %dma_start3A_193 : memref<1x8x128xi32, #tpu.memory_space<vmem>> -> memref<8x128xi32, #tpu.memory_space<vmem>>
      %dma_start3A_195 = arith.constant 0 : i32
      %dma_start3A_196 = tpu.memref_slice %dma_start3A_194[%dma_start3A_176, %dma_start3A_195] : memref<8x128xi32, #tpu.memory_space<vmem>> -> memref<1x128xi32, #tpu.memory_space<vmem>>
      %dma_start3A_197 = tpu.memref_squeeze %dma_start3A_196 : memref<1x128xi32, #tpu.memory_space<vmem>> -> memref<128xi32, #tpu.memory_space<vmem>>
      %dma_start3A_198 = arith.constant 0 : i32
      %dma_start3A_199 = tpu.memref_slice %dma_start3A_197[%dma_start3A_198] : memref<128xi32, #tpu.memory_space<vmem>> -> memref<100xi32, #tpu.memory_space<vmem>>
      %dma_start3A_200 = arith.constant 0 : i32
      %dma_start3A_201 = arith.constant 0 : i32
      %dma_start3A_202 = tpu.memref_slice %arg7[%dma_start3A_200, %dma_start3A_201] : memref<160x64xf32, #tpu.memory_space<vmem_shared>> -> memref<160x64xf32, #tpu.memory_space<vmem_shared>>
      tpu.enqueue_indirect_dma source(%dma_start3A_202 : memref<160x64xf32, #tpu.memory_space<vmem_shared>>) target(%dma_start3A_190 : memref<100x64xf32, #tpu.memory_space<vmem>>) offsets(%dma_start3A_199 : memref<100xi32, #tpu.memory_space<vmem>>) semaphore(%arg9 : memref<!tpu.dma_semaphore, #tpu.memory_space<semaphore_mem>>)
      %dma_start3A_203 = arith.constant 0 : i32
      %dma_start3A_204 = arith.constant 4 : i32
      %dma_start3A_205 = arith.constant 0 : i32
      %dma_start3A_206 = arith.constant 2 : i32
      %dma_start3A_207 = arith.constant 0 : i32
      %dma_start3A_208 = arith.constant 0 : i32
      %dma_start3A_209 = arith.constant 0 : i32
      %dma_start3A_210 = tpu.memref_slice %arg6[%dma_start3A_205, %dma_start3A_207, %dma_start3A_208, %dma_start3A_209] : memref<2x4x200x64xf32, #tpu.memory_space<vmem>> -> memref<1x4x200x64xf32, #tpu.memory_space<vmem>>
      %dma_start3A_211 = tpu.memref_squeeze %dma_start3A_210 : memref<1x4x200x64xf32, #tpu.memory_space<vmem>> -> memref<4x200x64xf32, #tpu.memory_space<vmem>>
      %dma_start3A_212 = arith.constant 0 : i32
      %dma_start3A_213 = arith.constant 0 : i32
      %dma_start3A_214 = tpu.memref_slice %dma_start3A_211[%dma_start3A_206, %dma_start3A_212, %dma_start3A_213] : memref<4x200x64xf32, #tpu.memory_space<vmem>> -> memref<1x200x64xf32, #tpu.memory_space<vmem>>
      %dma_start3A_215 = tpu.memref_squeeze %dma_start3A_214 : memref<1x200x64xf32, #tpu.memory_space<vmem>> -> memref<200x64xf32, #tpu.memory_space<vmem>>
      %dma_start3A_216 = arith.constant 0 : i32
      %dma_start3A_217 = arith.constant 0 : i32
      %dma_start3A_218 = tpu.memref_slice %dma_start3A_215[%dma_start3A_216, %dma_start3A_217] : memref<200x64xf32, #tpu.memory_space<vmem>> -> memref<100x64xf32, #tpu.memory_space<vmem>>
      %dma_start3A_219 = arith.constant 0 : i32
      %dma_start3A_220 = arith.constant 0 : i32
      %dma_start3A_221 = tpu.memref_slice %arg5[%dma_start3A_203, %dma_start3A_219, %dma_start3A_220] : memref<2x8x128xi32, #tpu.memory_space<vmem>> -> memref<1x8x128xi32, #tpu.memory_space<vmem>>
      %dma_start3A_222 = tpu.memref_squeeze %dma_start3A_221 : memref<1x8x128xi32, #tpu.memory_space<vmem>> -> memref<8x128xi32, #tpu.memory_space<vmem>>
      %dma_start3A_223 = arith.constant 0 : i32
      %dma_start3A_224 = tpu.memref_slice %dma_start3A_222[%dma_start3A_204, %dma_start3A_223] : memref<8x128xi32, #tpu.memory_space<vmem>> -> memref<1x128xi32, #tpu.memory_space<vmem>>
      %dma_start3A_225 = tpu.memref_squeeze %dma_start3A_224 : memref<1x128xi32, #tpu.memory_space<vmem>> -> memref<128xi32, #tpu.memory_space<vmem>>
      %dma_start3A_226 = arith.constant 0 : i32
      %dma_start3A_227 = tpu.memref_slice %dma_start3A_225[%dma_start3A_226] : memref<128xi32, #tpu.memory_space<vmem>> -> memref<100xi32, #tpu.memory_space<vmem>>
      %dma_start3A_228 = arith.constant 0 : i32
      %dma_start3A_229 = arith.constant 0 : i32
      %dma_start3A_230 = tpu.memref_slice %arg7[%dma_start3A_228, %dma_start3A_229] : memref<160x64xf32, #tpu.memory_space<vmem_shared>> -> memref<160x64xf32, #tpu.memory_space<vmem_shared>>
      tpu.enqueue_indirect_dma source(%dma_start3A_230 : memref<160x64xf32, #tpu.memory_space<vmem_shared>>) target(%dma_start3A_218 : memref<100x64xf32, #tpu.memory_space<vmem>>) offsets(%dma_start3A_227 : memref<100xi32, #tpu.memory_space<vmem>>) semaphore(%arg9 : memref<!tpu.dma_semaphore, #tpu.memory_space<semaphore_mem>>)
      %dma_start3A_231 = arith.constant 0 : i32
      %dma_start3A_232 = arith.constant 5 : i32
      %dma_start3A_233 = arith.constant 0 : i32
      %dma_start3A_234 = arith.constant 2 : i32
      %dma_start3A_235 = arith.constant 0 : i32
      %dma_start3A_236 = arith.constant 0 : i32
      %dma_start3A_237 = arith.constant 0 : i32
      %dma_start3A_238 = tpu.memref_slice %arg6[%dma_start3A_233, %dma_start3A_235, %dma_start3A_236, %dma_start3A_237] : memref<2x4x200x64xf32, #tpu.memory_space<vmem>> -> memref<1x4x200x64xf32, #tpu.memory_space<vmem>>
      %dma_start3A_239 = tpu.memref_squeeze %dma_start3A_238 : memref<1x4x200x64xf32, #tpu.memory_space<vmem>> -> memref<4x200x64xf32, #tpu.memory_space<vmem>>
      %dma_start3A_240 = arith.constant 0 : i32
      %dma_start3A_241 = arith.constant 0 : i32
      %dma_start3A_242 = tpu.memref_slice %dma_start3A_239[%dma_start3A_234, %dma_start3A_240, %dma_start3A_241] : memref<4x200x64xf32, #tpu.memory_space<vmem>> -> memref<1x200x64xf32, #tpu.memory_space<vmem>>
      %dma_start3A_243 = tpu.memref_squeeze %dma_start3A_242 : memref<1x200x64xf32, #tpu.memory_space<vmem>> -> memref<200x64xf32, #tpu.memory_space<vmem>>
      %dma_start3A_244 = arith.constant 100 : i32
      %dma_start3A_245 = arith.constant 0 : i32
      %dma_start3A_246 = tpu.memref_slice %dma_start3A_243[%dma_start3A_244, %dma_start3A_245] : memref<200x64xf32, #tpu.memory_space<vmem>> -> memref<100x64xf32, #tpu.memory_space<vmem>>
      %dma_start3A_247 = arith.constant 0 : i32
      %dma_start3A_248 = arith.constant 0 : i32
      %dma_start3A_249 = tpu.memref_slice %arg5[%dma_start3A_231, %dma_start3A_247, %dma_start3A_248] : memref<2x8x128xi32, #tpu.memory_space<vmem>> -> memref<1x8x128xi32, #tpu.memory_space<vmem>>
      %dma_start3A_250 = tpu.memref_squeeze %dma_start3A_249 : memref<1x8x128xi32, #tpu.memory_space<vmem>> -> memref<8x128xi32, #tpu.memory_space<vmem>>
      %dma_start3A_251 = arith.constant 0 : i32
      %dma_start3A_252 = tpu.memref_slice %dma_start3A_250[%dma_start3A_232, %dma_start3A_251] : memref<8x128xi32, #tpu.memory_space<vmem>> -> memref<1x128xi32, #tpu.memory_space<vmem>>
      %dma_start3A_253 = tpu.memref_squeeze %dma_start3A_252 : memref<1x128xi32, #tpu.memory_space<vmem>> -> memref<128xi32, #tpu.memory_space<vmem>>
      %dma_start3A_254 = arith.constant 0 : i32
      %dma_start3A_255 = tpu.memref_slice %dma_start3A_253[%dma_start3A_254] : memref<128xi32, #tpu.memory_space<vmem>> -> memref<100xi32, #tpu.memory_space<vmem>>
      %dma_start3A_256 = arith.constant 0 : i32
      %dma_start3A_257 = arith.constant 0 : i32
      %dma_start3A_258 = tpu.memref_slice %arg7[%dma_start3A_256, %dma_start3A_257] : memref<160x64xf32, #tpu.memory_space<vmem_shared>> -> memref<160x64xf32, #tpu.memory_space<vmem_shared>>
      tpu.enqueue_indirect_dma source(%dma_start3A_258 : memref<160x64xf32, #tpu.memory_space<vmem_shared>>) target(%dma_start3A_246 : memref<100x64xf32, #tpu.memory_space<vmem>>) offsets(%dma_start3A_255 : memref<100xi32, #tpu.memory_space<vmem>>) semaphore(%arg9 : memref<!tpu.dma_semaphore, #tpu.memory_space<semaphore_mem>>)
      %dma_start3A_259 = arith.constant 0 : i32
      %dma_start3A_260 = arith.constant 6 : i32
      %dma_start3A_261 = arith.constant 0 : i32
      %dma_start3A_262 = arith.constant 3 : i32
      %dma_start3A_263 = arith.constant 0 : i32
      %dma_start3A_264 = arith.constant 0 : i32
      %dma_start3A_265 = arith.constant 0 : i32
      %dma_start3A_266 = tpu.memref_slice %arg6[%dma_start3A_261, %dma_start3A_263, %dma_start3A_264, %dma_start3A_265] : memref<2x4x200x64xf32, #tpu.memory_space<vmem>> -> memref<1x4x200x64xf32, #tpu.memory_space<vmem>>
      %dma_start3A_267 = tpu.memref_squeeze %dma_start3A_266 : memref<1x4x200x64xf32, #tpu.memory_space<vmem>> -> memref<4x200x64xf32, #tpu.memory_space<vmem>>
      %dma_start3A_268 = arith.constant 0 : i32
      %dma_start3A_269 = arith.constant 0 : i32
      %dma_start3A_270 = tpu.memref_slice %dma_start3A_267[%dma_start3A_262, %dma_start3A_268, %dma_start3A_269] : memref<4x200x64xf32, #tpu.memory_space<vmem>> -> memref<1x200x64xf32, #tpu.memory_space<vmem>>
      %dma_start3A_271 = tpu.memref_squeeze %dma_start3A_270 : memref<1x200x64xf32, #tpu.memory_space<vmem>> -> memref<200x64xf32, #tpu.memory_space<vmem>>
      %dma_start3A_272 = arith.constant 0 : i32
      %dma_start3A_273 = arith.constant 0 : i32
      %dma_start3A_274 = tpu.memref_slice %dma_start3A_271[%dma_start3A_272, %dma_start3A_273] : memref<200x64xf32, #tpu.memory_space<vmem>> -> memref<100x64xf32, #tpu.memory_space<vmem>>
      %dma_start3A_275 = arith.constant 0 : i32
      %dma_start3A_276 = arith.constant 0 : i32
      %dma_start3A_277 = tpu.memref_slice %arg5[%dma_start3A_259, %dma_start3A_275, %dma_start3A_276] : memref<2x8x128xi32, #tpu.memory_space<vmem>> -> memref<1x8x128xi32, #tpu.memory_space<vmem>>
      %dma_start3A_278 = tpu.memref_squeeze %dma_start3A_277 : memref<1x8x128xi32, #tpu.memory_space<vmem>> -> memref<8x128xi32, #tpu.memory_space<vmem>>
      %dma_start3A_279 = arith.constant 0 : i32
      %dma_start3A_280 = tpu.memref_slice %dma_start3A_278[%dma_start3A_260, %dma_start3A_279] : memref<8x128xi32, #tpu.memory_space<vmem>> -> memref<1x128xi32, #tpu.memory_space<vmem>>
      %dma_start3A_281 = tpu.memref_squeeze %dma_start3A_280 : memref<1x128xi32, #tpu.memory_space<vmem>> -> memref<128xi32, #tpu.memory_space<vmem>>
      %dma_start3A_282 = arith.constant 0 : i32
      %dma_start3A_283 = tpu.memref_slice %dma_start3A_281[%dma_start3A_282] : memref<128xi32, #tpu.memory_space<vmem>> -> memref<100xi32, #tpu.memory_space<vmem>>
      %dma_start3A_284 = arith.constant 0 : i32
      %dma_start3A_285 = arith.constant 0 : i32
      %dma_start3A_286 = tpu.memref_slice %arg7[%dma_start3A_284, %dma_start3A_285] : memref<160x64xf32, #tpu.memory_space<vmem_shared>> -> memref<160x64xf32, #tpu.memory_space<vmem_shared>>
      tpu.enqueue_indirect_dma source(%dma_start3A_286 : memref<160x64xf32, #tpu.memory_space<vmem_shared>>) target(%dma_start3A_274 : memref<100x64xf32, #tpu.memory_space<vmem>>) offsets(%dma_start3A_283 : memref<100xi32, #tpu.memory_space<vmem>>) semaphore(%arg9 : memref<!tpu.dma_semaphore, #tpu.memory_space<semaphore_mem>>)
      %dma_start3A_287 = arith.constant 0 : i32
      %dma_start3A_288 = arith.constant 7 : i32
      %dma_start3A_289 = arith.constant 0 : i32
      %dma_start3A_290 = arith.constant 3 : i32
      %dma_start3A_291 = arith.constant 0 : i32
      %dma_start3A_292 = arith.constant 0 : i32
      %dma_start3A_293 = arith.constant 0 : i32
      %dma_start3A_294 = tpu.memref_slice %arg6[%dma_start3A_289, %dma_start3A_291, %dma_start3A_292, %dma_start3A_293] : memref<2x4x200x64xf32, #tpu.memory_space<vmem>> -> memref<1x4x200x64xf32, #tpu.memory_space<vmem>>
      %dma_start3A_295 = tpu.memref_squeeze %dma_start3A_294 : memref<1x4x200x64xf32, #tpu.memory_space<vmem>> -> memref<4x200x64xf32, #tpu.memory_space<vmem>>
      %dma_start3A_296 = arith.constant 0 : i32
      %dma_start3A_297 = arith.constant 0 : i32
      %dma_start3A_298 = tpu.memref_slice %dma_start3A_295[%dma_start3A_290, %dma_start3A_296, %dma_start3A_297] : memref<4x200x64xf32, #tpu.memory_space<vmem>> -> memref<1x200x64xf32, #tpu.memory_space<vmem>>
      %dma_start3A_299 = tpu.memref_squeeze %dma_start3A_298 : memref<1x200x64xf32, #tpu.memory_space<vmem>> -> memref<200x64xf32, #tpu.memory_space<vmem>>
      %dma_start3A_300 = arith.constant 100 : i32
      %dma_start3A_301 = arith.constant 0 : i32
      %dma_start3A_302 = tpu.memref_slice %dma_start3A_299[%dma_start3A_300, %dma_start3A_301] : memref<200x64xf32, #tpu.memory_space<vmem>> -> memref<100x64xf32, #tpu.memory_space<vmem>>
      %dma_start3A_303 = arith.constant 0 : i32
      %dma_start3A_304 = arith.constant 0 : i32
      %dma_start3A_305 = tpu.memref_slice %arg5[%dma_start3A_287, %dma_start3A_303, %dma_start3A_304] : memref<2x8x128xi32, #tpu.memory_space<vmem>> -> memref<1x8x128xi32, #tpu.memory_space<vmem>>
      %dma_start3A_306 = tpu.memref_squeeze %dma_start3A_305 : memref<1x8x128xi32, #tpu.memory_space<vmem>> -> memref<8x128xi32, #tpu.memory_space<vmem>>
      %dma_start3A_307 = arith.constant 0 : i32
      %dma_start3A_308 = tpu.memref_slice %dma_start3A_306[%dma_start3A_288, %dma_start3A_307] : memref<8x128xi32, #tpu.memory_space<vmem>> -> memref<1x128xi32, #tpu.memory_space<vmem>>
      %dma_start3A_309 = tpu.memref_squeeze %dma_start3A_308 : memref<1x128xi32, #tpu.memory_space<vmem>> -> memref<128xi32, #tpu.memory_space<vmem>>
      %dma_start3A_310 = arith.constant 0 : i32
      %dma_start3A_311 = tpu.memref_slice %dma_start3A_309[%dma_start3A_310] : memref<128xi32, #tpu.memory_space<vmem>> -> memref<100xi32, #tpu.memory_space<vmem>>
      %dma_start3A_312 = arith.constant 0 : i32
      %dma_start3A_313 = arith.constant 0 : i32
      %dma_start3A_314 = tpu.memref_slice %arg7[%dma_start3A_312, %dma_start3A_313] : memref<160x64xf32, #tpu.memory_space<vmem_shared>> -> memref<160x64xf32, #tpu.memory_space<vmem_shared>>
      tpu.enqueue_indirect_dma source(%dma_start3A_314 : memref<160x64xf32, #tpu.memory_space<vmem_shared>>) target(%dma_start3A_302 : memref<100x64xf32, #tpu.memory_space<vmem>>) offsets(%dma_start3A_311 : memref<100xi32, #tpu.memory_space<vmem>>) semaphore(%arg9 : memref<!tpu.dma_semaphore, #tpu.memory_space<semaphore_mem>>)
      %dma_wait3A_315 = arith.constant 0 : i32
      %dma_wait3A_316 = arith.constant 0 : i32
      %dma_wait3A_317 = arith.constant 0 : i32
      %dma_wait3A_318 = arith.constant 0 : i32
      %dma_wait3A_319 = arith.constant 0 : i32
      %dma_wait3A_320 = arith.constant 0 : i32
      %dma_wait3A_321 = arith.constant 0 : i32
      %dma_wait3A_322 = tpu.memref_slice %arg6[%dma_wait3A_317, %dma_wait3A_319, %dma_wait3A_320, %dma_wait3A_321] : memref<2x4x200x64xf32, #tpu.memory_space<vmem>> -> memref<1x4x200x64xf32, #tpu.memory_space<vmem>>
      %dma_wait3A_323 = tpu.memref_squeeze %dma_wait3A_322 : memref<1x4x200x64xf32, #tpu.memory_space<vmem>> -> memref<4x200x64xf32, #tpu.memory_space<vmem>>
      %dma_wait3A_324 = arith.constant 0 : i32
      %dma_wait3A_325 = arith.constant 0 : i32
      %dma_wait3A_326 = tpu.memref_slice %dma_wait3A_323[%dma_wait3A_318, %dma_wait3A_324, %dma_wait3A_325] : memref<4x200x64xf32, #tpu.memory_space<vmem>> -> memref<1x200x64xf32, #tpu.memory_space<vmem>>
      %dma_wait3A_327 = tpu.memref_squeeze %dma_wait3A_326 : memref<1x200x64xf32, #tpu.memory_space<vmem>> -> memref<200x64xf32, #tpu.memory_space<vmem>>
      %dma_wait3A_328 = arith.constant 0 : i32
      %dma_wait3A_329 = arith.constant 0 : i32
      %dma_wait3A_330 = tpu.memref_slice %dma_wait3A_327[%dma_wait3A_328, %dma_wait3A_329] : memref<200x64xf32, #tpu.memory_space<vmem>> -> memref<100x64xf32, #tpu.memory_space<vmem>>
      %dma_wait3A_331 = arith.constant 0 : i32
      %dma_wait3A_332 = arith.constant 0 : i32
      %dma_wait3A_333 = tpu.memref_slice %arg5[%dma_wait3A_315, %dma_wait3A_331, %dma_wait3A_332] : memref<2x8x128xi32, #tpu.memory_space<vmem>> -> memref<1x8x128xi32, #tpu.memory_space<vmem>>
      %dma_wait3A_334 = tpu.memref_squeeze %dma_wait3A_333 : memref<1x8x128xi32, #tpu.memory_space<vmem>> -> memref<8x128xi32, #tpu.memory_space<vmem>>
      %dma_wait3A_335 = arith.constant 0 : i32
      %dma_wait3A_336 = tpu.memref_slice %dma_wait3A_334[%dma_wait3A_316, %dma_wait3A_335] : memref<8x128xi32, #tpu.memory_space<vmem>> -> memref<1x128xi32, #tpu.memory_space<vmem>>
      %dma_wait3A_337 = tpu.memref_squeeze %dma_wait3A_336 : memref<1x128xi32, #tpu.memory_space<vmem>> -> memref<128xi32, #tpu.memory_space<vmem>>
      %dma_wait3A_338 = arith.constant 0 : i32
      %dma_wait3A_339 = tpu.memref_slice %dma_wait3A_337[%dma_wait3A_338] : memref<128xi32, #tpu.memory_space<vmem>> -> memref<100xi32, #tpu.memory_space<vmem>>
      %dma_wait3A_340 = arith.constant 0 : i32
      %dma_wait3A_341 = arith.constant 0 : i32
      %dma_wait3A_342 = tpu.memref_slice %arg7[%dma_wait3A_340, %dma_wait3A_341] : memref<160x64xf32, #tpu.memory_space<vmem_shared>> -> memref<160x64xf32, #tpu.memory_space<vmem_shared>>
      tpu.wait_indirect_dma semaphore(%arg9 : memref<!tpu.dma_semaphore, #tpu.memory_space<semaphore_mem>>) src(%dma_wait3A_342 : memref<160x64xf32, #tpu.memory_space<vmem_shared>>) dst(%dma_wait3A_330 : memref<100x64xf32, #tpu.memory_space<vmem>>)
      %dma_wait3A_343 = arith.constant 0 : i32
      %dma_wait3A_344 = arith.constant 1 : i32
      %dma_wait3A_345 = arith.constant 0 : i32
      %dma_wait3A_346 = arith.constant 0 : i32
      %dma_wait3A_347 = arith.constant 0 : i32
      %dma_wait3A_348 = arith.constant 0 : i32
      %dma_wait3A_349 = arith.constant 0 : i32
      %dma_wait3A_350 = tpu.memref_slice %arg6[%dma_wait3A_345, %dma_wait3A_347, %dma_wait3A_348, %dma_wait3A_349] : memref<2x4x200x64xf32, #tpu.memory_space<vmem>> -> memref<1x4x200x64xf32, #tpu.memory_space<vmem>>
      %dma_wait3A_351 = tpu.memref_squeeze %dma_wait3A_350 : memref<1x4x200x64xf32, #tpu.memory_space<vmem>> -> memref<4x200x64xf32, #tpu.memory_space<vmem>>
      %dma_wait3A_352 = arith.constant 0 : i32
      %dma_wait3A_353 = arith.constant 0 : i32
      %dma_wait3A_354 = tpu.memref_slice %dma_wait3A_351[%dma_wait3A_346, %dma_wait3A_352, %dma_wait3A_353] : memref<4x200x64xf32, #tpu.memory_space<vmem>> -> memref<1x200x64xf32, #tpu.memory_space<vmem>>
      %dma_wait3A_355 = tpu.memref_squeeze %dma_wait3A_354 : memref<1x200x64xf32, #tpu.memory_space<vmem>> -> memref<200x64xf32, #tpu.memory_space<vmem>>
      %dma_wait3A_356 = arith.constant 100 : i32
      %dma_wait3A_357 = arith.constant 0 : i32
      %dma_wait3A_358 = tpu.memref_slice %dma_wait3A_355[%dma_wait3A_356, %dma_wait3A_357] : memref<200x64xf32, #tpu.memory_space<vmem>> -> memref<100x64xf32, #tpu.memory_space<vmem>>
      %dma_wait3A_359 = arith.constant 0 : i32
      %dma_wait3A_360 = arith.constant 0 : i32
      %dma_wait3A_361 = tpu.memref_slice %arg5[%dma_wait3A_343, %dma_wait3A_359, %dma_wait3A_360] : memref<2x8x128xi32, #tpu.memory_space<vmem>> -> memref<1x8x128xi32, #tpu.memory_space<vmem>>
      %dma_wait3A_362 = tpu.memref_squeeze %dma_wait3A_361 : memref<1x8x128xi32, #tpu.memory_space<vmem>> -> memref<8x128xi32, #tpu.memory_space<vmem>>
      %dma_wait3A_363 = arith.constant 0 : i32
      %dma_wait3A_364 = tpu.memref_slice %dma_wait3A_362[%dma_wait3A_344, %dma_wait3A_363] : memref<8x128xi32, #tpu.memory_space<vmem>> -> memref<1x128xi32, #tpu.memory_space<vmem>>
      %dma_wait3A_365 = tpu.memref_squeeze %dma_wait3A_364 : memref<1x128xi32, #tpu.memory_space<vmem>> -> memref<128xi32, #tpu.memory_space<vmem>>
      %dma_wait3A_366 = arith.constant 0 : i32
      %dma_wait3A_367 = tpu.memref_slice %dma_wait3A_365[%dma_wait3A_366] : memref<128xi32, #tpu.memory_space<vmem>> -> memref<100xi32, #tpu.memory_space<vmem>>
      %dma_wait3A_368 = arith.constant 0 : i32
      %dma_wait3A_369 = arith.constant 0 : i32
      %dma_wait3A_370 = tpu.memref_slice %arg7[%dma_wait3A_368, %dma_wait3A_369] : memref<160x64xf32, #tpu.memory_space<vmem_shared>> -> memref<160x64xf32, #tpu.memory_space<vmem_shared>>
      tpu.wait_indirect_dma semaphore(%arg9 : memref<!tpu.dma_semaphore, #tpu.memory_space<semaphore_mem>>) src(%dma_wait3A_370 : memref<160x64xf32, #tpu.memory_space<vmem_shared>>) dst(%dma_wait3A_358 : memref<100x64xf32, #tpu.memory_space<vmem>>)
      %dma_wait3A_371 = arith.constant 0 : i32
      %dma_wait3A_372 = arith.constant 2 : i32
      %dma_wait3A_373 = arith.constant 0 : i32
      %dma_wait3A_374 = arith.constant 1 : i32
      %dma_wait3A_375 = arith.constant 0 : i32
      %dma_wait3A_376 = arith.constant 0 : i32
      %dma_wait3A_377 = arith.constant 0 : i32
      %dma_wait3A_378 = tpu.memref_slice %arg6[%dma_wait3A_373, %dma_wait3A_375, %dma_wait3A_376, %dma_wait3A_377] : memref<2x4x200x64xf32, #tpu.memory_space<vmem>> -> memref<1x4x200x64xf32, #tpu.memory_space<vmem>>
      %dma_wait3A_379 = tpu.memref_squeeze %dma_wait3A_378 : memref<1x4x200x64xf32, #tpu.memory_space<vmem>> -> memref<4x200x64xf32, #tpu.memory_space<vmem>>
      %dma_wait3A_380 = arith.constant 0 : i32
      %dma_wait3A_381 = arith.constant 0 : i32
      %dma_wait3A_382 = tpu.memref_slice %dma_wait3A_379[%dma_wait3A_374, %dma_wait3A_380, %dma_wait3A_381] : memref<4x200x64xf32, #tpu.memory_space<vmem>> -> memref<1x200x64xf32, #tpu.memory_space<vmem>>
      %dma_wait3A_383 = tpu.memref_squeeze %dma_wait3A_382 : memref<1x200x64xf32, #tpu.memory_space<vmem>> -> memref<200x64xf32, #tpu.memory_space<vmem>>
      %dma_wait3A_384 = arith.constant 0 : i32
      %dma_wait3A_385 = arith.constant 0 : i32
      %dma_wait3A_386 = tpu.memref_slice %dma_wait3A_383[%dma_wait3A_384, %dma_wait3A_385] : memref<200x64xf32, #tpu.memory_space<vmem>> -> memref<100x64xf32, #tpu.memory_space<vmem>>
      %dma_wait3A_387 = arith.constant 0 : i32
      %dma_wait3A_388 = arith.constant 0 : i32
      %dma_wait3A_389 = tpu.memref_slice %arg5[%dma_wait3A_371, %dma_wait3A_387, %dma_wait3A_388] : memref<2x8x128xi32, #tpu.memory_space<vmem>> -> memref<1x8x128xi32, #tpu.memory_space<vmem>>
      %dma_wait3A_390 = tpu.memref_squeeze %dma_wait3A_389 : memref<1x8x128xi32, #tpu.memory_space<vmem>> -> memref<8x128xi32, #tpu.memory_space<vmem>>
      %dma_wait3A_391 = arith.constant 0 : i32
      %dma_wait3A_392 = tpu.memref_slice %dma_wait3A_390[%dma_wait3A_372, %dma_wait3A_391] : memref<8x128xi32, #tpu.memory_space<vmem>> -> memref<1x128xi32, #tpu.memory_space<vmem>>
      %dma_wait3A_393 = tpu.memref_squeeze %dma_wait3A_392 : memref<1x128xi32, #tpu.memory_space<vmem>> -> memref<128xi32, #tpu.memory_space<vmem>>
      %dma_wait3A_394 = arith.constant 0 : i32
      %dma_wait3A_395 = tpu.memref_slice %dma_wait3A_393[%dma_wait3A_394] : memref<128xi32, #tpu.memory_space<vmem>> -> memref<100xi32, #tpu.memory_space<vmem>>
      %dma_wait3A_396 = arith.constant 0 : i32
      %dma_wait3A_397 = arith.constant 0 : i32
      %dma_wait3A_398 = tpu.memref_slice %arg7[%dma_wait3A_396, %dma_wait3A_397] : memref<160x64xf32, #tpu.memory_space<vmem_shared>> -> memref<160x64xf32, #tpu.memory_space<vmem_shared>>
      tpu.wait_indirect_dma semaphore(%arg9 : memref<!tpu.dma_semaphore, #tpu.memory_space<semaphore_mem>>) src(%dma_wait3A_398 : memref<160x64xf32, #tpu.memory_space<vmem_shared>>) dst(%dma_wait3A_386 : memref<100x64xf32, #tpu.memory_space<vmem>>)
      %dma_wait3A_399 = arith.constant 0 : i32
      %dma_wait3A_400 = arith.constant 3 : i32
      %dma_wait3A_401 = arith.constant 0 : i32
      %dma_wait3A_402 = arith.constant 1 : i32
      %dma_wait3A_403 = arith.constant 0 : i32
      %dma_wait3A_404 = arith.constant 0 : i32
      %dma_wait3A_405 = arith.constant 0 : i32
      %dma_wait3A_406 = tpu.memref_slice %arg6[%dma_wait3A_401, %dma_wait3A_403, %dma_wait3A_404, %dma_wait3A_405] : memref<2x4x200x64xf32, #tpu.memory_space<vmem>> -> memref<1x4x200x64xf32, #tpu.memory_space<vmem>>
      %dma_wait3A_407 = tpu.memref_squeeze %dma_wait3A_406 : memref<1x4x200x64xf32, #tpu.memory_space<vmem>> -> memref<4x200x64xf32, #tpu.memory_space<vmem>>
      %dma_wait3A_408 = arith.constant 0 : i32
      %dma_wait3A_409 = arith.constant 0 : i32
      %dma_wait3A_410 = tpu.memref_slice %dma_wait3A_407[%dma_wait3A_402, %dma_wait3A_408, %dma_wait3A_409] : memref<4x200x64xf32, #tpu.memory_space<vmem>> -> memref<1x200x64xf32, #tpu.memory_space<vmem>>
      %dma_wait3A_411 = tpu.memref_squeeze %dma_wait3A_410 : memref<1x200x64xf32, #tpu.memory_space<vmem>> -> memref<200x64xf32, #tpu.memory_space<vmem>>
      %dma_wait3A_412 = arith.constant 100 : i32
      %dma_wait3A_413 = arith.constant 0 : i32
      %dma_wait3A_414 = tpu.memref_slice %dma_wait3A_411[%dma_wait3A_412, %dma_wait3A_413] : memref<200x64xf32, #tpu.memory_space<vmem>> -> memref<100x64xf32, #tpu.memory_space<vmem>>
      %dma_wait3A_415 = arith.constant 0 : i32
      %dma_wait3A_416 = arith.constant 0 : i32
      %dma_wait3A_417 = tpu.memref_slice %arg5[%dma_wait3A_399, %dma_wait3A_415, %dma_wait3A_416] : memref<2x8x128xi32, #tpu.memory_space<vmem>> -> memref<1x8x128xi32, #tpu.memory_space<vmem>>
      %dma_wait3A_418 = tpu.memref_squeeze %dma_wait3A_417 : memref<1x8x128xi32, #tpu.memory_space<vmem>> -> memref<8x128xi32, #tpu.memory_space<vmem>>
      %dma_wait3A_419 = arith.constant 0 : i32
      %dma_wait3A_420 = tpu.memref_slice %dma_wait3A_418[%dma_wait3A_400, %dma_wait3A_419] : memref<8x128xi32, #tpu.memory_space<vmem>> -> memref<1x128xi32, #tpu.memory_space<vmem>>
      %dma_wait3A_421 = tpu.memref_squeeze %dma_wait3A_420 : memref<1x128xi32, #tpu.memory_space<vmem>> -> memref<128xi32, #tpu.memory_space<vmem>>
      %dma_wait3A_422 = arith.constant 0 : i32
      %dma_wait3A_423 = tpu.memref_slice %dma_wait3A_421[%dma_wait3A_422] : memref<128xi32, #tpu.memory_space<vmem>> -> memref<100xi32, #tpu.memory_space<vmem>>
      %dma_wait3A_424 = arith.constant 0 : i32
      %dma_wait3A_425 = arith.constant 0 : i32
      %dma_wait3A_426 = tpu.memref_slice %arg7[%dma_wait3A_424, %dma_wait3A_425] : memref<160x64xf32, #tpu.memory_space<vmem_shared>> -> memref<160x64xf32, #tpu.memory_space<vmem_shared>>
      tpu.wait_indirect_dma semaphore(%arg9 : memref<!tpu.dma_semaphore, #tpu.memory_space<semaphore_mem>>) src(%dma_wait3A_426 : memref<160x64xf32, #tpu.memory_space<vmem_shared>>) dst(%dma_wait3A_414 : memref<100x64xf32, #tpu.memory_space<vmem>>)
      %dma_wait3A_427 = arith.constant 0 : i32
      %dma_wait3A_428 = arith.constant 4 : i32
      %dma_wait3A_429 = arith.constant 0 : i32
      %dma_wait3A_430 = arith.constant 2 : i32
      %dma_wait3A_431 = arith.constant 0 : i32
      %dma_wait3A_432 = arith.constant 0 : i32
      %dma_wait3A_433 = arith.constant 0 : i32
      %dma_wait3A_434 = tpu.memref_slice %arg6[%dma_wait3A_429, %dma_wait3A_431, %dma_wait3A_432, %dma_wait3A_433] : memref<2x4x200x64xf32, #tpu.memory_space<vmem>> -> memref<1x4x200x64xf32, #tpu.memory_space<vmem>>
      %dma_wait3A_435 = tpu.memref_squeeze %dma_wait3A_434 : memref<1x4x200x64xf32, #tpu.memory_space<vmem>> -> memref<4x200x64xf32, #tpu.memory_space<vmem>>
      %dma_wait3A_436 = arith.constant 0 : i32
      %dma_wait3A_437 = arith.constant 0 : i32
      %dma_wait3A_438 = tpu.memref_slice %dma_wait3A_435[%dma_wait3A_430, %dma_wait3A_436, %dma_wait3A_437] : memref<4x200x64xf32, #tpu.memory_space<vmem>> -> memref<1x200x64xf32, #tpu.memory_space<vmem>>
      %dma_wait3A_439 = tpu.memref_squeeze %dma_wait3A_438 : memref<1x200x64xf32, #tpu.memory_space<vmem>> -> memref<200x64xf32, #tpu.memory_space<vmem>>
      %dma_wait3A_440 = arith.constant 0 : i32
      %dma_wait3A_441 = arith.constant 0 : i32
      %dma_wait3A_442 = tpu.memref_slice %dma_wait3A_439[%dma_wait3A_440, %dma_wait3A_441] : memref<200x64xf32, #tpu.memory_space<vmem>> -> memref<100x64xf32, #tpu.memory_space<vmem>>
      %dma_wait3A_443 = arith.constant 0 : i32
      %dma_wait3A_444 = arith.constant 0 : i32
      %dma_wait3A_445 = tpu.memref_slice %arg5[%dma_wait3A_427, %dma_wait3A_443, %dma_wait3A_444] : memref<2x8x128xi32, #tpu.memory_space<vmem>> -> memref<1x8x128xi32, #tpu.memory_space<vmem>>
      %dma_wait3A_446 = tpu.memref_squeeze %dma_wait3A_445 : memref<1x8x128xi32, #tpu.memory_space<vmem>> -> memref<8x128xi32, #tpu.memory_space<vmem>>
      %dma_wait3A_447 = arith.constant 0 : i32
      %dma_wait3A_448 = tpu.memref_slice %dma_wait3A_446[%dma_wait3A_428, %dma_wait3A_447] : memref<8x128xi32, #tpu.memory_space<vmem>> -> memref<1x128xi32, #tpu.memory_space<vmem>>
      %dma_wait3A_449 = tpu.memref_squeeze %dma_wait3A_448 : memref<1x128xi32, #tpu.memory_space<vmem>> -> memref<128xi32, #tpu.memory_space<vmem>>
      %dma_wait3A_450 = arith.constant 0 : i32
      %dma_wait3A_451 = tpu.memref_slice %dma_wait3A_449[%dma_wait3A_450] : memref<128xi32, #tpu.memory_space<vmem>> -> memref<100xi32, #tpu.memory_space<vmem>>
      %dma_wait3A_452 = arith.constant 0 : i32
      %dma_wait3A_453 = arith.constant 0 : i32
      %dma_wait3A_454 = tpu.memref_slice %arg7[%dma_wait3A_452, %dma_wait3A_453] : memref<160x64xf32, #tpu.memory_space<vmem_shared>> -> memref<160x64xf32, #tpu.memory_space<vmem_shared>>
      tpu.wait_indirect_dma semaphore(%arg9 : memref<!tpu.dma_semaphore, #tpu.memory_space<semaphore_mem>>) src(%dma_wait3A_454 : memref<160x64xf32, #tpu.memory_space<vmem_shared>>) dst(%dma_wait3A_442 : memref<100x64xf32, #tpu.memory_space<vmem>>)
      %dma_wait3A_455 = arith.constant 0 : i32
      %dma_wait3A_456 = arith.constant 5 : i32
      %dma_wait3A_457 = arith.constant 0 : i32
      %dma_wait3A_458 = arith.constant 2 : i32
      %dma_wait3A_459 = arith.constant 0 : i32
      %dma_wait3A_460 = arith.constant 0 : i32
      %dma_wait3A_461 = arith.constant 0 : i32
      %dma_wait3A_462 = tpu.memref_slice %arg6[%dma_wait3A_457, %dma_wait3A_459, %dma_wait3A_460, %dma_wait3A_461] : memref<2x4x200x64xf32, #tpu.memory_space<vmem>> -> memref<1x4x200x64xf32, #tpu.memory_space<vmem>>
      %dma_wait3A_463 = tpu.memref_squeeze %dma_wait3A_462 : memref<1x4x200x64xf32, #tpu.memory_space<vmem>> -> memref<4x200x64xf32, #tpu.memory_space<vmem>>
      %dma_wait3A_464 = arith.constant 0 : i32
      %dma_wait3A_465 = arith.constant 0 : i32
      %dma_wait3A_466 = tpu.memref_slice %dma_wait3A_463[%dma_wait3A_458, %dma_wait3A_464, %dma_wait3A_465] : memref<4x200x64xf32, #tpu.memory_space<vmem>> -> memref<1x200x64xf32, #tpu.memory_space<vmem>>
      %dma_wait3A_467 = tpu.memref_squeeze %dma_wait3A_466 : memref<1x200x64xf32, #tpu.memory_space<vmem>> -> memref<200x64xf32, #tpu.memory_space<vmem>>
      %dma_wait3A_468 = arith.constant 100 : i32
      %dma_wait3A_469 = arith.constant 0 : i32
      %dma_wait3A_470 = tpu.memref_slice %dma_wait3A_467[%dma_wait3A_468, %dma_wait3A_469] : memref<200x64xf32, #tpu.memory_space<vmem>> -> memref<100x64xf32, #tpu.memory_space<vmem>>
      %dma_wait3A_471 = arith.constant 0 : i32
      %dma_wait3A_472 = arith.constant 0 : i32
      %dma_wait3A_473 = tpu.memref_slice %arg5[%dma_wait3A_455, %dma_wait3A_471, %dma_wait3A_472] : memref<2x8x128xi32, #tpu.memory_space<vmem>> -> memref<1x8x128xi32, #tpu.memory_space<vmem>>
      %dma_wait3A_474 = tpu.memref_squeeze %dma_wait3A_473 : memref<1x8x128xi32, #tpu.memory_space<vmem>> -> memref<8x128xi32, #tpu.memory_space<vmem>>
      %dma_wait3A_475 = arith.constant 0 : i32
      %dma_wait3A_476 = tpu.memref_slice %dma_wait3A_474[%dma_wait3A_456, %dma_wait3A_475] : memref<8x128xi32, #tpu.memory_space<vmem>> -> memref<1x128xi32, #tpu.memory_space<vmem>>
      %dma_wait3A_477 = tpu.memref_squeeze %dma_wait3A_476 : memref<1x128xi32, #tpu.memory_space<vmem>> -> memref<128xi32, #tpu.memory_space<vmem>>
      %dma_wait3A_478 = arith.constant 0 : i32
      %dma_wait3A_479 = tpu.memref_slice %dma_wait3A_477[%dma_wait3A_478] : memref<128xi32, #tpu.memory_space<vmem>> -> memref<100xi32, #tpu.memory_space<vmem>>
      %dma_wait3A_480 = arith.constant 0 : i32
      %dma_wait3A_481 = arith.constant 0 : i32
      %dma_wait3A_482 = tpu.memref_slice %arg7[%dma_wait3A_480, %dma_wait3A_481] : memref<160x64xf32, #tpu.memory_space<vmem_shared>> -> memref<160x64xf32, #tpu.memory_space<vmem_shared>>
      tpu.wait_indirect_dma semaphore(%arg9 : memref<!tpu.dma_semaphore, #tpu.memory_space<semaphore_mem>>) src(%dma_wait3A_482 : memref<160x64xf32, #tpu.memory_space<vmem_shared>>) dst(%dma_wait3A_470 : memref<100x64xf32, #tpu.memory_space<vmem>>)
      %dma_wait3A_483 = arith.constant 0 : i32
      %dma_wait3A_484 = arith.constant 6 : i32
      %dma_wait3A_485 = arith.constant 0 : i32
      %dma_wait3A_486 = arith.constant 3 : i32
      %dma_wait3A_487 = arith.constant 0 : i32
      %dma_wait3A_488 = arith.constant 0 : i32
      %dma_wait3A_489 = arith.constant 0 : i32
      %dma_wait3A_490 = tpu.memref_slice %arg6[%dma_wait3A_485, %dma_wait3A_487, %dma_wait3A_488, %dma_wait3A_489] : memref<2x4x200x64xf32, #tpu.memory_space<vmem>> -> memref<1x4x200x64xf32, #tpu.memory_space<vmem>>
      %dma_wait3A_491 = tpu.memref_squeeze %dma_wait3A_490 : memref<1x4x200x64xf32, #tpu.memory_space<vmem>> -> memref<4x200x64xf32, #tpu.memory_space<vmem>>
      %dma_wait3A_492 = arith.constant 0 : i32
      %dma_wait3A_493 = arith.constant 0 : i32
      %dma_wait3A_494 = tpu.memref_slice %dma_wait3A_491[%dma_wait3A_486, %dma_wait3A_492, %dma_wait3A_493] : memref<4x200x64xf32, #tpu.memory_space<vmem>> -> memref<1x200x64xf32, #tpu.memory_space<vmem>>
      %dma_wait3A_495 = tpu.memref_squeeze %dma_wait3A_494 : memref<1x200x64xf32, #tpu.memory_space<vmem>> -> memref<200x64xf32, #tpu.memory_space<vmem>>
      %dma_wait3A_496 = arith.constant 0 : i32
      %dma_wait3A_497 = arith.constant 0 : i32
      %dma_wait3A_498 = tpu.memref_slice %dma_wait3A_495[%dma_wait3A_496, %dma_wait3A_497] : memref<200x64xf32, #tpu.memory_space<vmem>> -> memref<100x64xf32, #tpu.memory_space<vmem>>
      %dma_wait3A_499 = arith.constant 0 : i32
      %dma_wait3A_500 = arith.constant 0 : i32
      %dma_wait3A_501 = tpu.memref_slice %arg5[%dma_wait3A_483, %dma_wait3A_499, %dma_wait3A_500] : memref<2x8x128xi32, #tpu.memory_space<vmem>> -> memref<1x8x128xi32, #tpu.memory_space<vmem>>
      %dma_wait3A_502 = tpu.memref_squeeze %dma_wait3A_501 : memref<1x8x128xi32, #tpu.memory_space<vmem>> -> memref<8x128xi32, #tpu.memory_space<vmem>>
      %dma_wait3A_503 = arith.constant 0 : i32
      %dma_wait3A_504 = tpu.memref_slice %dma_wait3A_502[%dma_wait3A_484, %dma_wait3A_503] : memref<8x128xi32, #tpu.memory_space<vmem>> -> memref<1x128xi32, #tpu.memory_space<vmem>>
      %dma_wait3A_505 = tpu.memref_squeeze %dma_wait3A_504 : memref<1x128xi32, #tpu.memory_space<vmem>> -> memref<128xi32, #tpu.memory_space<vmem>>
      %dma_wait3A_506 = arith.constant 0 : i32
      %dma_wait3A_507 = tpu.memref_slice %dma_wait3A_505[%dma_wait3A_506] : memref<128xi32, #tpu.memory_space<vmem>> -> memref<100xi32, #tpu.memory_space<vmem>>
      %dma_wait3A_508 = arith.constant 0 : i32
      %dma_wait3A_509 = arith.constant 0 : i32
      %dma_wait3A_510 = tpu.memref_slice %arg7[%dma_wait3A_508, %dma_wait3A_509] : memref<160x64xf32, #tpu.memory_space<vmem_shared>> -> memref<160x64xf32, #tpu.memory_space<vmem_shared>>
      tpu.wait_indirect_dma semaphore(%arg9 : memref<!tpu.dma_semaphore, #tpu.memory_space<semaphore_mem>>) src(%dma_wait3A_510 : memref<160x64xf32, #tpu.memory_space<vmem_shared>>) dst(%dma_wait3A_498 : memref<100x64xf32, #tpu.memory_space<vmem>>)
      %dma_wait3A_511 = arith.constant 0 : i32
      %dma_wait3A_512 = arith.constant 7 : i32
      %dma_wait3A_513 = arith.constant 0 : i32
      %dma_wait3A_514 = arith.constant 3 : i32
      %dma_wait3A_515 = arith.constant 0 : i32
      %dma_wait3A_516 = arith.constant 0 : i32
      %dma_wait3A_517 = arith.constant 0 : i32
      %dma_wait3A_518 = tpu.memref_slice %arg6[%dma_wait3A_513, %dma_wait3A_515, %dma_wait3A_516, %dma_wait3A_517] : memref<2x4x200x64xf32, #tpu.memory_space<vmem>> -> memref<1x4x200x64xf32, #tpu.memory_space<vmem>>
      %dma_wait3A_519 = tpu.memref_squeeze %dma_wait3A_518 : memref<1x4x200x64xf32, #tpu.memory_space<vmem>> -> memref<4x200x64xf32, #tpu.memory_space<vmem>>
      %dma_wait3A_520 = arith.constant 0 : i32
      %dma_wait3A_521 = arith.constant 0 : i32
      %dma_wait3A_522 = tpu.memref_slice %dma_wait3A_519[%dma_wait3A_514, %dma_wait3A_520, %dma_wait3A_521] : memref<4x200x64xf32, #tpu.memory_space<vmem>> -> memref<1x200x64xf32, #tpu.memory_space<vmem>>
      %dma_wait3A_523 = tpu.memref_squeeze %dma_wait3A_522 : memref<1x200x64xf32, #tpu.memory_space<vmem>> -> memref<200x64xf32, #tpu.memory_space<vmem>>
      %dma_wait3A_524 = arith.constant 100 : i32
      %dma_wait3A_525 = arith.constant 0 : i32
      %dma_wait3A_526 = tpu.memref_slice %dma_wait3A_523[%dma_wait3A_524, %dma_wait3A_525] : memref<200x64xf32, #tpu.memory_space<vmem>> -> memref<100x64xf32, #tpu.memory_space<vmem>>
      %dma_wait3A_527 = arith.constant 0 : i32
      %dma_wait3A_528 = arith.constant 0 : i32
      %dma_wait3A_529 = tpu.memref_slice %arg5[%dma_wait3A_511, %dma_wait3A_527, %dma_wait3A_528] : memref<2x8x128xi32, #tpu.memory_space<vmem>> -> memref<1x8x128xi32, #tpu.memory_space<vmem>>
      %dma_wait3A_530 = tpu.memref_squeeze %dma_wait3A_529 : memref<1x8x128xi32, #tpu.memory_space<vmem>> -> memref<8x128xi32, #tpu.memory_space<vmem>>
      %dma_wait3A_531 = arith.constant 0 : i32
      %dma_wait3A_532 = tpu.memref_slice %dma_wait3A_530[%dma_wait3A_512, %dma_wait3A_531] : memref<8x128xi32, #tpu.memory_space<vmem>> -> memref<1x128xi32, #tpu.memory_space<vmem>>
      %dma_wait3A_533 = tpu.memref_squeeze %dma_wait3A_532 : memref<1x128xi32, #tpu.memory_space<vmem>> -> memref<128xi32, #tpu.memory_space<vmem>>
      %dma_wait3A_534 = arith.constant 0 : i32
      %dma_wait3A_535 = tpu.memref_slice %dma_wait3A_533[%dma_wait3A_534] : memref<128xi32, #tpu.memory_space<vmem>> -> memref<100xi32, #tpu.memory_space<vmem>>
      %dma_wait3A_536 = arith.constant 0 : i32
      %dma_wait3A_537 = arith.constant 0 : i32
      %dma_wait3A_538 = tpu.memref_slice %arg7[%dma_wait3A_536, %dma_wait3A_537] : memref<160x64xf32, #tpu.memory_space<vmem_shared>> -> memref<160x64xf32, #tpu.memory_space<vmem_shared>>
      tpu.wait_indirect_dma semaphore(%arg9 : memref<!tpu.dma_semaphore, #tpu.memory_space<semaphore_mem>>) src(%dma_wait3A_538 : memref<160x64xf32, #tpu.memory_space<vmem_shared>>) dst(%dma_wait3A_526 : memref<100x64xf32, #tpu.memory_space<vmem>>)
      %mul3A_539 = arith.constant 4 : i32
      %mul3A_540 = arith.muli %add3A_65, %mul3A_539 : i32
      %add3A_541 = arith.addi %mul3A_6, %mul3A_540 : i32
      %dma_start3A_542 = arith.constant 0 : i32
      %dma_start3A_543 = arith.constant 0 : i32
      %dma_start3A_544 = arith.constant 0 : i32
      %dma_start3A_545 = arith.constant 0 : i32
      %dma_start3A_546 = tpu.memref_slice %arg6[%dma_start3A_542, %dma_start3A_543, %dma_start3A_544, %dma_start3A_545] : memref<2x4x200x64xf32, #tpu.memory_space<vmem>> -> memref<1x4x200x64xf32, #tpu.memory_space<vmem>>
      %dma_start3A_547 = tpu.memref_squeeze %dma_start3A_546 : memref<1x4x200x64xf32, #tpu.memory_space<vmem>> -> memref<4x200x64xf32, #tpu.memory_space<vmem>>
      %dma_start3A_548 = arith.constant 0 : i32
      %dma_start3A_549 = arith.constant 0 : i32
      %dma_start3A_550 = tpu.memref_slice %arg4[%add3A_541, %dma_start3A_548, %dma_start3A_549] : memref<16384x200x128xf32, #tpu.memory_space<hbm>> -> memref<4x200x64xf32, #tpu.memory_space<hbm>>
      %dma_start3A_551 = arith.constant 0 : i32
      %dma_start3A_552 = arith.constant 0 : i32
      %dma_start3A_553 = tpu.memref_slice %arg4[%add3A_541, %dma_start3A_551, %dma_start3A_552] : memref<16384x200x128xf32, #tpu.memory_space<hbm>> -> memref<4x200x64xf32, #tpu.memory_space<hbm>>
      %dma_start3A_554 = arith.constant 0 : i32
      %dma_start3A_555 = arith.constant 0 : i32
      %dma_start3A_556 = arith.constant 0 : i32
      %dma_start3A_557 = tpu.memref_slice %arg6[%dma_start3A_542, %dma_start3A_554, %dma_start3A_555, %dma_start3A_556] : memref<2x4x200x64xf32, #tpu.memory_space<vmem>> -> memref<1x4x200x64xf32, #tpu.memory_space<vmem>>
      %dma_start3A_558 = tpu.memref_squeeze %dma_start3A_557 : memref<1x4x200x64xf32, #tpu.memory_space<vmem>> -> memref<4x200x64xf32, #tpu.memory_space<vmem>>
      tpu.enqueue_dma source(%dma_start3A_558 : memref<4x200x64xf32, #tpu.memory_space<vmem>>) target(%dma_start3A_553 : memref<4x200x64xf32, #tpu.memory_space<hbm>>) target_semaphore(%arg10 : memref<!tpu.dma_semaphore, #tpu.memory_space<semaphore_mem>>)
      %mul3A_559 = arith.constant 2 : i32
      %mul3A_560 = arith.muli %mul3A_559, %scan3A_61 : i32
      %add3A_561 = arith.constant 1 : i32
      %add3A_562 = arith.addi %mul3A_560, %add3A_561 : i32
      %dma_wait3A_563 = arith.constant 1 : i32
      %dma_wait3A_564 = arith.constant 0 : i32
      %dma_wait3A_565 = arith.constant 0 : i32
      %dma_wait3A_566 = tpu.memref_slice %arg5[%dma_wait3A_563, %dma_wait3A_564, %dma_wait3A_565] : memref<2x8x128xi32, #tpu.memory_space<vmem>> -> memref<1x8x128xi32, #tpu.memory_space<vmem>>
      %dma_wait3A_567 = tpu.memref_squeeze %dma_wait3A_566 : memref<1x8x128xi32, #tpu.memory_space<vmem>> -> memref<8x128xi32, #tpu.memory_space<vmem>>
      %dma_wait3A_568 = arith.constant 0 : i32
      %dma_wait3A_569 = arith.constant 0 : i32
      %dma_wait3A_570 = tpu.memref_slice %arg2[%dma_wait3A_568, %dma_wait3A_569] : memref<32768x128xi32, #tpu.memory_space<hbm>> -> memref<8x128xi32, #tpu.memory_space<hbm>>
      %dma_wait3A_571 = arith.constant 0 : i32
      %dma_wait3A_572 = arith.constant 0 : i32
      %dma_wait3A_573 = tpu.memref_slice %arg5[%dma_wait3A_563, %dma_wait3A_571, %dma_wait3A_572] : memref<2x8x128xi32, #tpu.memory_space<vmem>> -> memref<1x8x128xi32, #tpu.memory_space<vmem>>
      %dma_wait3A_574 = tpu.memref_squeeze %dma_wait3A_573 : memref<1x8x128xi32, #tpu.memory_space<vmem>> -> memref<8x128xi32, #tpu.memory_space<vmem>>
      %dma_wait3A_575 = arith.constant 0 : i32
      %dma_wait3A_576 = arith.constant 0 : i32
      %dma_wait3A_577 = tpu.memref_slice %arg2[%dma_wait3A_575, %dma_wait3A_576] : memref<32768x128xi32, #tpu.memory_space<hbm>> -> memref<8x128xi32, #tpu.memory_space<hbm>>
      tpu.wait_dma2 semaphore(%arg8 : memref<!tpu.dma_semaphore, #tpu.memory_space<semaphore_mem>>) src(%dma_wait3A_577 : memref<8x128xi32, #tpu.memory_space<hbm>>) dst(%dma_wait3A_574 : memref<8x128xi32, #tpu.memory_space<vmem>>)
      %add3A_578 = arith.constant 1 : i32
      %add3A_579 = arith.addi %add3A_562, %add3A_578 : i32
      %lt3A_580 = arith.constant 128 : i32
      %lt3A_581 = arith.cmpi slt, %add3A_579, %lt3A_580 : i32
      %convert_element_type3A_582 = arith.extui %lt3A_581 : i1 to i32
      %cond3A_583 = arith.constant 0 : i32
      %cond3A_584 = arith.cmpi ne, %convert_element_type3A_582, %cond3A_583 : i32
      scf.if %cond3A_584 {
        %add3A_1058 = arith.constant 1 : i32
        %add3A_1059 = arith.addi %add3A_562, %add3A_1058 : i32
        %mul3A_1060 = arith.constant 8 : i32
        %mul3A_1061 = arith.muli %add3A_1059, %mul3A_1060 : i32
        %add3A_1062 = arith.addi %mul3A_4, %mul3A_1061 : i32
        %dma_start3A_1063 = arith.constant 0 : i32
        %dma_start3A_1064 = arith.constant 0 : i32
        %dma_start3A_1065 = arith.constant 0 : i32
        %dma_start3A_1066 = tpu.memref_slice %arg5[%dma_start3A_1063, %dma_start3A_1064, %dma_start3A_1065] : memref<2x8x128xi32, #tpu.memory_space<vmem>> -> memref<1x8x128xi32, #tpu.memory_space<vmem>>
        %dma_start3A_1067 = tpu.memref_squeeze %dma_start3A_1066 : memref<1x8x128xi32, #tpu.memory_space<vmem>> -> memref<8x128xi32, #tpu.memory_space<vmem>>
        %dma_start3A_1068 = arith.constant 0 : i32
        %dma_start3A_1069 = tpu.memref_slice %arg2[%add3A_1062, %dma_start3A_1068] : memref<32768x128xi32, #tpu.memory_space<hbm>> -> memref<8x128xi32, #tpu.memory_space<hbm>>
        %dma_start3A_1070 = arith.constant 0 : i32
        %dma_start3A_1071 = arith.constant 0 : i32
        %dma_start3A_1072 = tpu.memref_slice %arg5[%dma_start3A_1063, %dma_start3A_1070, %dma_start3A_1071] : memref<2x8x128xi32, #tpu.memory_space<vmem>> -> memref<1x8x128xi32, #tpu.memory_space<vmem>>
        %dma_start3A_1073 = tpu.memref_squeeze %dma_start3A_1072 : memref<1x8x128xi32, #tpu.memory_space<vmem>> -> memref<8x128xi32, #tpu.memory_space<vmem>>
        %dma_start3A_1074 = arith.constant 0 : i32
        %dma_start3A_1075 = tpu.memref_slice %arg2[%add3A_1062, %dma_start3A_1074] : memref<32768x128xi32, #tpu.memory_space<hbm>> -> memref<8x128xi32, #tpu.memory_space<hbm>>
        tpu.enqueue_dma source(%dma_start3A_1075 : memref<8x128xi32, #tpu.memory_space<hbm>>) target(%dma_start3A_1073 : memref<8x128xi32, #tpu.memory_space<vmem>>) target_semaphore(%arg8 : memref<!tpu.dma_semaphore, #tpu.memory_space<semaphore_mem>>)
      } else {
      }
      %ge3A_585 = arith.constant 2 : i32
      %ge3A_586 = arith.cmpi sge, %add3A_562, %ge3A_585 : i32
      %convert_element_type3A_587 = arith.extui %ge3A_586 : i1 to i32
      %cond3A_588 = arith.constant 0 : i32
      %cond3A_589 = arith.cmpi ne, %convert_element_type3A_587, %cond3A_588 : i32
      scf.if %cond3A_589 {
        %dma_wait3A_1058 = arith.constant 1 : i32
        %dma_wait3A_1059 = arith.constant 0 : i32
        %dma_wait3A_1060 = arith.constant 0 : i32
        %dma_wait3A_1061 = arith.constant 0 : i32
        %dma_wait3A_1062 = tpu.memref_slice %arg6[%dma_wait3A_1058, %dma_wait3A_1059, %dma_wait3A_1060, %dma_wait3A_1061] : memref<2x4x200x64xf32, #tpu.memory_space<vmem>> -> memref<1x4x200x64xf32, #tpu.memory_space<vmem>>
        %dma_wait3A_1063 = tpu.memref_squeeze %dma_wait3A_1062 : memref<1x4x200x64xf32, #tpu.memory_space<vmem>> -> memref<4x200x64xf32, #tpu.memory_space<vmem>>
        %dma_wait3A_1064 = arith.constant 0 : i32
        %dma_wait3A_1065 = arith.constant 0 : i32
        %dma_wait3A_1066 = arith.constant 0 : i32
        %dma_wait3A_1067 = tpu.memref_slice %arg4[%dma_wait3A_1064, %dma_wait3A_1065, %dma_wait3A_1066] : memref<16384x200x128xf32, #tpu.memory_space<hbm>> -> memref<4x200x64xf32, #tpu.memory_space<hbm>>
        %dma_wait3A_1068 = arith.constant 0 : i32
        %dma_wait3A_1069 = arith.constant 0 : i32
        %dma_wait3A_1070 = arith.constant 0 : i32
        %dma_wait3A_1071 = tpu.memref_slice %arg4[%dma_wait3A_1068, %dma_wait3A_1069, %dma_wait3A_1070] : memref<16384x200x128xf32, #tpu.memory_space<hbm>> -> memref<4x200x64xf32, #tpu.memory_space<hbm>>
        %dma_wait3A_1072 = arith.constant 0 : i32
        %dma_wait3A_1073 = arith.constant 0 : i32
        %dma_wait3A_1074 = arith.constant 0 : i32
        %dma_wait3A_1075 = tpu.memref_slice %arg6[%dma_wait3A_1058, %dma_wait3A_1072, %dma_wait3A_1073, %dma_wait3A_1074] : memref<2x4x200x64xf32, #tpu.memory_space<vmem>> -> memref<1x4x200x64xf32, #tpu.memory_space<vmem>>
        %dma_wait3A_1076 = tpu.memref_squeeze %dma_wait3A_1075 : memref<1x4x200x64xf32, #tpu.memory_space<vmem>> -> memref<4x200x64xf32, #tpu.memory_space<vmem>>
        tpu.wait_dma2 semaphore(%arg11 : memref<!tpu.dma_semaphore, #tpu.memory_space<semaphore_mem>>) src(%dma_wait3A_1076 : memref<4x200x64xf32, #tpu.memory_space<vmem>>) dst(%dma_wait3A_1071 : memref<4x200x64xf32, #tpu.memory_space<hbm>>)
      } else {
      }
      %dma_start3A_590 = arith.constant 1 : i32
      %dma_start3A_591 = arith.constant 0 : i32
      %dma_start3A_592 = arith.constant 1 : i32
      %dma_start3A_593 = arith.constant 0 : i32
      %dma_start3A_594 = arith.constant 0 : i32
      %dma_start3A_595 = arith.constant 0 : i32
      %dma_start3A_596 = arith.constant 0 : i32
      %dma_start3A_597 = tpu.memref_slice %arg6[%dma_start3A_592, %dma_start3A_594, %dma_start3A_595, %dma_start3A_596] : memref<2x4x200x64xf32, #tpu.memory_space<vmem>> -> memref<1x4x200x64xf32, #tpu.memory_space<vmem>>
      %dma_start3A_598 = tpu.memref_squeeze %dma_start3A_597 : memref<1x4x200x64xf32, #tpu.memory_space<vmem>> -> memref<4x200x64xf32, #tpu.memory_space<vmem>>
      %dma_start3A_599 = arith.constant 0 : i32
      %dma_start3A_600 = arith.constant 0 : i32
      %dma_start3A_601 = tpu.memref_slice %dma_start3A_598[%dma_start3A_593, %dma_start3A_599, %dma_start3A_600] : memref<4x200x64xf32, #tpu.memory_space<vmem>> -> memref<1x200x64xf32, #tpu.memory_space<vmem>>
      %dma_start3A_602 = tpu.memref_squeeze %dma_start3A_601 : memref<1x200x64xf32, #tpu.memory_space<vmem>> -> memref<200x64xf32, #tpu.memory_space<vmem>>
      %dma_start3A_603 = arith.constant 0 : i32
      %dma_start3A_604 = arith.constant 0 : i32
      %dma_start3A_605 = tpu.memref_slice %dma_start3A_602[%dma_start3A_603, %dma_start3A_604] : memref<200x64xf32, #tpu.memory_space<vmem>> -> memref<100x64xf32, #tpu.memory_space<vmem>>
      %dma_start3A_606 = arith.constant 0 : i32
      %dma_start3A_607 = arith.constant 0 : i32
      %dma_start3A_608 = tpu.memref_slice %arg5[%dma_start3A_590, %dma_start3A_606, %dma_start3A_607] : memref<2x8x128xi32, #tpu.memory_space<vmem>> -> memref<1x8x128xi32, #tpu.memory_space<vmem>>
      %dma_start3A_609 = tpu.memref_squeeze %dma_start3A_608 : memref<1x8x128xi32, #tpu.memory_space<vmem>> -> memref<8x128xi32, #tpu.memory_space<vmem>>
      %dma_start3A_610 = arith.constant 0 : i32
      %dma_start3A_611 = tpu.memref_slice %dma_start3A_609[%dma_start3A_591, %dma_start3A_610] : memref<8x128xi32, #tpu.memory_space<vmem>> -> memref<1x128xi32, #tpu.memory_space<vmem>>
      %dma_start3A_612 = tpu.memref_squeeze %dma_start3A_611 : memref<1x128xi32, #tpu.memory_space<vmem>> -> memref<128xi32, #tpu.memory_space<vmem>>
      %dma_start3A_613 = arith.constant 0 : i32
      %dma_start3A_614 = tpu.memref_slice %dma_start3A_612[%dma_start3A_613] : memref<128xi32, #tpu.memory_space<vmem>> -> memref<100xi32, #tpu.memory_space<vmem>>
      %dma_start3A_615 = arith.constant 0 : i32
      %dma_start3A_616 = arith.constant 0 : i32
      %dma_start3A_617 = tpu.memref_slice %arg7[%dma_start3A_615, %dma_start3A_616] : memref<160x64xf32, #tpu.memory_space<vmem_shared>> -> memref<160x64xf32, #tpu.memory_space<vmem_shared>>
      tpu.enqueue_indirect_dma source(%dma_start3A_617 : memref<160x64xf32, #tpu.memory_space<vmem_shared>>) target(%dma_start3A_605 : memref<100x64xf32, #tpu.memory_space<vmem>>) offsets(%dma_start3A_614 : memref<100xi32, #tpu.memory_space<vmem>>) semaphore(%arg9 : memref<!tpu.dma_semaphore, #tpu.memory_space<semaphore_mem>>)
      %dma_start3A_618 = arith.constant 1 : i32
      %dma_start3A_619 = arith.constant 1 : i32
      %dma_start3A_620 = arith.constant 1 : i32
      %dma_start3A_621 = arith.constant 0 : i32
      %dma_start3A_622 = arith.constant 0 : i32
      %dma_start3A_623 = arith.constant 0 : i32
      %dma_start3A_624 = arith.constant 0 : i32
      %dma_start3A_625 = tpu.memref_slice %arg6[%dma_start3A_620, %dma_start3A_622, %dma_start3A_623, %dma_start3A_624] : memref<2x4x200x64xf32, #tpu.memory_space<vmem>> -> memref<1x4x200x64xf32, #tpu.memory_space<vmem>>
      %dma_start3A_626 = tpu.memref_squeeze %dma_start3A_625 : memref<1x4x200x64xf32, #tpu.memory_space<vmem>> -> memref<4x200x64xf32, #tpu.memory_space<vmem>>
      %dma_start3A_627 = arith.constant 0 : i32
      %dma_start3A_628 = arith.constant 0 : i32
      %dma_start3A_629 = tpu.memref_slice %dma_start3A_626[%dma_start3A_621, %dma_start3A_627, %dma_start3A_628] : memref<4x200x64xf32, #tpu.memory_space<vmem>> -> memref<1x200x64xf32, #tpu.memory_space<vmem>>
      %dma_start3A_630 = tpu.memref_squeeze %dma_start3A_629 : memref<1x200x64xf32, #tpu.memory_space<vmem>> -> memref<200x64xf32, #tpu.memory_space<vmem>>
      %dma_start3A_631 = arith.constant 100 : i32
      %dma_start3A_632 = arith.constant 0 : i32
      %dma_start3A_633 = tpu.memref_slice %dma_start3A_630[%dma_start3A_631, %dma_start3A_632] : memref<200x64xf32, #tpu.memory_space<vmem>> -> memref<100x64xf32, #tpu.memory_space<vmem>>
      %dma_start3A_634 = arith.constant 0 : i32
      %dma_start3A_635 = arith.constant 0 : i32
      %dma_start3A_636 = tpu.memref_slice %arg5[%dma_start3A_618, %dma_start3A_634, %dma_start3A_635] : memref<2x8x128xi32, #tpu.memory_space<vmem>> -> memref<1x8x128xi32, #tpu.memory_space<vmem>>
      %dma_start3A_637 = tpu.memref_squeeze %dma_start3A_636 : memref<1x8x128xi32, #tpu.memory_space<vmem>> -> memref<8x128xi32, #tpu.memory_space<vmem>>
      %dma_start3A_638 = arith.constant 0 : i32
      %dma_start3A_639 = tpu.memref_slice %dma_start3A_637[%dma_start3A_619, %dma_start3A_638] : memref<8x128xi32, #tpu.memory_space<vmem>> -> memref<1x128xi32, #tpu.memory_space<vmem>>
      %dma_start3A_640 = tpu.memref_squeeze %dma_start3A_639 : memref<1x128xi32, #tpu.memory_space<vmem>> -> memref<128xi32, #tpu.memory_space<vmem>>
      %dma_start3A_641 = arith.constant 0 : i32
      %dma_start3A_642 = tpu.memref_slice %dma_start3A_640[%dma_start3A_641] : memref<128xi32, #tpu.memory_space<vmem>> -> memref<100xi32, #tpu.memory_space<vmem>>
      %dma_start3A_643 = arith.constant 0 : i32
      %dma_start3A_644 = arith.constant 0 : i32
      %dma_start3A_645 = tpu.memref_slice %arg7[%dma_start3A_643, %dma_start3A_644] : memref<160x64xf32, #tpu.memory_space<vmem_shared>> -> memref<160x64xf32, #tpu.memory_space<vmem_shared>>
      tpu.enqueue_indirect_dma source(%dma_start3A_645 : memref<160x64xf32, #tpu.memory_space<vmem_shared>>) target(%dma_start3A_633 : memref<100x64xf32, #tpu.memory_space<vmem>>) offsets(%dma_start3A_642 : memref<100xi32, #tpu.memory_space<vmem>>) semaphore(%arg9 : memref<!tpu.dma_semaphore, #tpu.memory_space<semaphore_mem>>)
      %dma_start3A_646 = arith.constant 1 : i32
      %dma_start3A_647 = arith.constant 2 : i32
      %dma_start3A_648 = arith.constant 1 : i32
      %dma_start3A_649 = arith.constant 1 : i32
      %dma_start3A_650 = arith.constant 0 : i32
      %dma_start3A_651 = arith.constant 0 : i32
      %dma_start3A_652 = arith.constant 0 : i32
      %dma_start3A_653 = tpu.memref_slice %arg6[%dma_start3A_648, %dma_start3A_650, %dma_start3A_651, %dma_start3A_652] : memref<2x4x200x64xf32, #tpu.memory_space<vmem>> -> memref<1x4x200x64xf32, #tpu.memory_space<vmem>>
      %dma_start3A_654 = tpu.memref_squeeze %dma_start3A_653 : memref<1x4x200x64xf32, #tpu.memory_space<vmem>> -> memref<4x200x64xf32, #tpu.memory_space<vmem>>
      %dma_start3A_655 = arith.constant 0 : i32
      %dma_start3A_656 = arith.constant 0 : i32
      %dma_start3A_657 = tpu.memref_slice %dma_start3A_654[%dma_start3A_649, %dma_start3A_655, %dma_start3A_656] : memref<4x200x64xf32, #tpu.memory_space<vmem>> -> memref<1x200x64xf32, #tpu.memory_space<vmem>>
      %dma_start3A_658 = tpu.memref_squeeze %dma_start3A_657 : memref<1x200x64xf32, #tpu.memory_space<vmem>> -> memref<200x64xf32, #tpu.memory_space<vmem>>
      %dma_start3A_659 = arith.constant 0 : i32
      %dma_start3A_660 = arith.constant 0 : i32
      %dma_start3A_661 = tpu.memref_slice %dma_start3A_658[%dma_start3A_659, %dma_start3A_660] : memref<200x64xf32, #tpu.memory_space<vmem>> -> memref<100x64xf32, #tpu.memory_space<vmem>>
      %dma_start3A_662 = arith.constant 0 : i32
      %dma_start3A_663 = arith.constant 0 : i32
      %dma_start3A_664 = tpu.memref_slice %arg5[%dma_start3A_646, %dma_start3A_662, %dma_start3A_663] : memref<2x8x128xi32, #tpu.memory_space<vmem>> -> memref<1x8x128xi32, #tpu.memory_space<vmem>>
      %dma_start3A_665 = tpu.memref_squeeze %dma_start3A_664 : memref<1x8x128xi32, #tpu.memory_space<vmem>> -> memref<8x128xi32, #tpu.memory_space<vmem>>
      %dma_start3A_666 = arith.constant 0 : i32
      %dma_start3A_667 = tpu.memref_slice %dma_start3A_665[%dma_start3A_647, %dma_start3A_666] : memref<8x128xi32, #tpu.memory_space<vmem>> -> memref<1x128xi32, #tpu.memory_space<vmem>>
      %dma_start3A_668 = tpu.memref_squeeze %dma_start3A_667 : memref<1x128xi32, #tpu.memory_space<vmem>> -> memref<128xi32, #tpu.memory_space<vmem>>
      %dma_start3A_669 = arith.constant 0 : i32
      %dma_start3A_670 = tpu.memref_slice %dma_start3A_668[%dma_start3A_669] : memref<128xi32, #tpu.memory_space<vmem>> -> memref<100xi32, #tpu.memory_space<vmem>>
      %dma_start3A_671 = arith.constant 0 : i32
      %dma_start3A_672 = arith.constant 0 : i32
      %dma_start3A_673 = tpu.memref_slice %arg7[%dma_start3A_671, %dma_start3A_672] : memref<160x64xf32, #tpu.memory_space<vmem_shared>> -> memref<160x64xf32, #tpu.memory_space<vmem_shared>>
      tpu.enqueue_indirect_dma source(%dma_start3A_673 : memref<160x64xf32, #tpu.memory_space<vmem_shared>>) target(%dma_start3A_661 : memref<100x64xf32, #tpu.memory_space<vmem>>) offsets(%dma_start3A_670 : memref<100xi32, #tpu.memory_space<vmem>>) semaphore(%arg9 : memref<!tpu.dma_semaphore, #tpu.memory_space<semaphore_mem>>)
      %dma_start3A_674 = arith.constant 1 : i32
      %dma_start3A_675 = arith.constant 3 : i32
      %dma_start3A_676 = arith.constant 1 : i32
      %dma_start3A_677 = arith.constant 1 : i32
      %dma_start3A_678 = arith.constant 0 : i32
      %dma_start3A_679 = arith.constant 0 : i32
      %dma_start3A_680 = arith.constant 0 : i32
      %dma_start3A_681 = tpu.memref_slice %arg6[%dma_start3A_676, %dma_start3A_678, %dma_start3A_679, %dma_start3A_680] : memref<2x4x200x64xf32, #tpu.memory_space<vmem>> -> memref<1x4x200x64xf32, #tpu.memory_space<vmem>>
      %dma_start3A_682 = tpu.memref_squeeze %dma_start3A_681 : memref<1x4x200x64xf32, #tpu.memory_space<vmem>> -> memref<4x200x64xf32, #tpu.memory_space<vmem>>
      %dma_start3A_683 = arith.constant 0 : i32
      %dma_start3A_684 = arith.constant 0 : i32
      %dma_start3A_685 = tpu.memref_slice %dma_start3A_682[%dma_start3A_677, %dma_start3A_683, %dma_start3A_684] : memref<4x200x64xf32, #tpu.memory_space<vmem>> -> memref<1x200x64xf32, #tpu.memory_space<vmem>>
      %dma_start3A_686 = tpu.memref_squeeze %dma_start3A_685 : memref<1x200x64xf32, #tpu.memory_space<vmem>> -> memref<200x64xf32, #tpu.memory_space<vmem>>
      %dma_start3A_687 = arith.constant 100 : i32
      %dma_start3A_688 = arith.constant 0 : i32
      %dma_start3A_689 = tpu.memref_slice %dma_start3A_686[%dma_start3A_687, %dma_start3A_688] : memref<200x64xf32, #tpu.memory_space<vmem>> -> memref<100x64xf32, #tpu.memory_space<vmem>>
      %dma_start3A_690 = arith.constant 0 : i32
      %dma_start3A_691 = arith.constant 0 : i32
      %dma_start3A_692 = tpu.memref_slice %arg5[%dma_start3A_674, %dma_start3A_690, %dma_start3A_691] : memref<2x8x128xi32, #tpu.memory_space<vmem>> -> memref<1x8x128xi32, #tpu.memory_space<vmem>>
      %dma_start3A_693 = tpu.memref_squeeze %dma_start3A_692 : memref<1x8x128xi32, #tpu.memory_space<vmem>> -> memref<8x128xi32, #tpu.memory_space<vmem>>
      %dma_start3A_694 = arith.constant 0 : i32
      %dma_start3A_695 = tpu.memref_slice %dma_start3A_693[%dma_start3A_675, %dma_start3A_694] : memref<8x128xi32, #tpu.memory_space<vmem>> -> memref<1x128xi32, #tpu.memory_space<vmem>>
      %dma_start3A_696 = tpu.memref_squeeze %dma_start3A_695 : memref<1x128xi32, #tpu.memory_space<vmem>> -> memref<128xi32, #tpu.memory_space<vmem>>
      %dma_start3A_697 = arith.constant 0 : i32
      %dma_start3A_698 = tpu.memref_slice %dma_start3A_696[%dma_start3A_697] : memref<128xi32, #tpu.memory_space<vmem>> -> memref<100xi32, #tpu.memory_space<vmem>>
      %dma_start3A_699 = arith.constant 0 : i32
      %dma_start3A_700 = arith.constant 0 : i32
      %dma_start3A_701 = tpu.memref_slice %arg7[%dma_start3A_699, %dma_start3A_700] : memref<160x64xf32, #tpu.memory_space<vmem_shared>> -> memref<160x64xf32, #tpu.memory_space<vmem_shared>>
      tpu.enqueue_indirect_dma source(%dma_start3A_701 : memref<160x64xf32, #tpu.memory_space<vmem_shared>>) target(%dma_start3A_689 : memref<100x64xf32, #tpu.memory_space<vmem>>) offsets(%dma_start3A_698 : memref<100xi32, #tpu.memory_space<vmem>>) semaphore(%arg9 : memref<!tpu.dma_semaphore, #tpu.memory_space<semaphore_mem>>)
      %dma_start3A_702 = arith.constant 1 : i32
      %dma_start3A_703 = arith.constant 4 : i32
      %dma_start3A_704 = arith.constant 1 : i32
      %dma_start3A_705 = arith.constant 2 : i32
      %dma_start3A_706 = arith.constant 0 : i32
      %dma_start3A_707 = arith.constant 0 : i32
      %dma_start3A_708 = arith.constant 0 : i32
      %dma_start3A_709 = tpu.memref_slice %arg6[%dma_start3A_704, %dma_start3A_706, %dma_start3A_707, %dma_start3A_708] : memref<2x4x200x64xf32, #tpu.memory_space<vmem>> -> memref<1x4x200x64xf32, #tpu.memory_space<vmem>>
      %dma_start3A_710 = tpu.memref_squeeze %dma_start3A_709 : memref<1x4x200x64xf32, #tpu.memory_space<vmem>> -> memref<4x200x64xf32, #tpu.memory_space<vmem>>
      %dma_start3A_711 = arith.constant 0 : i32
      %dma_start3A_712 = arith.constant 0 : i32
      %dma_start3A_713 = tpu.memref_slice %dma_start3A_710[%dma_start3A_705, %dma_start3A_711, %dma_start3A_712] : memref<4x200x64xf32, #tpu.memory_space<vmem>> -> memref<1x200x64xf32, #tpu.memory_space<vmem>>
      %dma_start3A_714 = tpu.memref_squeeze %dma_start3A_713 : memref<1x200x64xf32, #tpu.memory_space<vmem>> -> memref<200x64xf32, #tpu.memory_space<vmem>>
      %dma_start3A_715 = arith.constant 0 : i32
      %dma_start3A_716 = arith.constant 0 : i32
      %dma_start3A_717 = tpu.memref_slice %dma_start3A_714[%dma_start3A_715, %dma_start3A_716] : memref<200x64xf32, #tpu.memory_space<vmem>> -> memref<100x64xf32, #tpu.memory_space<vmem>>
      %dma_start3A_718 = arith.constant 0 : i32
      %dma_start3A_719 = arith.constant 0 : i32
      %dma_start3A_720 = tpu.memref_slice %arg5[%dma_start3A_702, %dma_start3A_718, %dma_start3A_719] : memref<2x8x128xi32, #tpu.memory_space<vmem>> -> memref<1x8x128xi32, #tpu.memory_space<vmem>>
      %dma_start3A_721 = tpu.memref_squeeze %dma_start3A_720 : memref<1x8x128xi32, #tpu.memory_space<vmem>> -> memref<8x128xi32, #tpu.memory_space<vmem>>
      %dma_start3A_722 = arith.constant 0 : i32
      %dma_start3A_723 = tpu.memref_slice %dma_start3A_721[%dma_start3A_703, %dma_start3A_722] : memref<8x128xi32, #tpu.memory_space<vmem>> -> memref<1x128xi32, #tpu.memory_space<vmem>>
      %dma_start3A_724 = tpu.memref_squeeze %dma_start3A_723 : memref<1x128xi32, #tpu.memory_space<vmem>> -> memref<128xi32, #tpu.memory_space<vmem>>
      %dma_start3A_725 = arith.constant 0 : i32
      %dma_start3A_726 = tpu.memref_slice %dma_start3A_724[%dma_start3A_725] : memref<128xi32, #tpu.memory_space<vmem>> -> memref<100xi32, #tpu.memory_space<vmem>>
      %dma_start3A_727 = arith.constant 0 : i32
      %dma_start3A_728 = arith.constant 0 : i32
      %dma_start3A_729 = tpu.memref_slice %arg7[%dma_start3A_727, %dma_start3A_728] : memref<160x64xf32, #tpu.memory_space<vmem_shared>> -> memref<160x64xf32, #tpu.memory_space<vmem_shared>>
      tpu.enqueue_indirect_dma source(%dma_start3A_729 : memref<160x64xf32, #tpu.memory_space<vmem_shared>>) target(%dma_start3A_717 : memref<100x64xf32, #tpu.memory_space<vmem>>) offsets(%dma_start3A_726 : memref<100xi32, #tpu.memory_space<vmem>>) semaphore(%arg9 : memref<!tpu.dma_semaphore, #tpu.memory_space<semaphore_mem>>)
      %dma_start3A_730 = arith.constant 1 : i32
      %dma_start3A_731 = arith.constant 5 : i32
      %dma_start3A_732 = arith.constant 1 : i32
      %dma_start3A_733 = arith.constant 2 : i32
      %dma_start3A_734 = arith.constant 0 : i32
      %dma_start3A_735 = arith.constant 0 : i32
      %dma_start3A_736 = arith.constant 0 : i32
      %dma_start3A_737 = tpu.memref_slice %arg6[%dma_start3A_732, %dma_start3A_734, %dma_start3A_735, %dma_start3A_736] : memref<2x4x200x64xf32, #tpu.memory_space<vmem>> -> memref<1x4x200x64xf32, #tpu.memory_space<vmem>>
      %dma_start3A_738 = tpu.memref_squeeze %dma_start3A_737 : memref<1x4x200x64xf32, #tpu.memory_space<vmem>> -> memref<4x200x64xf32, #tpu.memory_space<vmem>>
      %dma_start3A_739 = arith.constant 0 : i32
      %dma_start3A_740 = arith.constant 0 : i32
      %dma_start3A_741 = tpu.memref_slice %dma_start3A_738[%dma_start3A_733, %dma_start3A_739, %dma_start3A_740] : memref<4x200x64xf32, #tpu.memory_space<vmem>> -> memref<1x200x64xf32, #tpu.memory_space<vmem>>
      %dma_start3A_742 = tpu.memref_squeeze %dma_start3A_741 : memref<1x200x64xf32, #tpu.memory_space<vmem>> -> memref<200x64xf32, #tpu.memory_space<vmem>>
      %dma_start3A_743 = arith.constant 100 : i32
      %dma_start3A_744 = arith.constant 0 : i32
      %dma_start3A_745 = tpu.memref_slice %dma_start3A_742[%dma_start3A_743, %dma_start3A_744] : memref<200x64xf32, #tpu.memory_space<vmem>> -> memref<100x64xf32, #tpu.memory_space<vmem>>
      %dma_start3A_746 = arith.constant 0 : i32
      %dma_start3A_747 = arith.constant 0 : i32
      %dma_start3A_748 = tpu.memref_slice %arg5[%dma_start3A_730, %dma_start3A_746, %dma_start3A_747] : memref<2x8x128xi32, #tpu.memory_space<vmem>> -> memref<1x8x128xi32, #tpu.memory_space<vmem>>
      %dma_start3A_749 = tpu.memref_squeeze %dma_start3A_748 : memref<1x8x128xi32, #tpu.memory_space<vmem>> -> memref<8x128xi32, #tpu.memory_space<vmem>>
      %dma_start3A_750 = arith.constant 0 : i32
      %dma_start3A_751 = tpu.memref_slice %dma_start3A_749[%dma_start3A_731, %dma_start3A_750] : memref<8x128xi32, #tpu.memory_space<vmem>> -> memref<1x128xi32, #tpu.memory_space<vmem>>
      %dma_start3A_752 = tpu.memref_squeeze %dma_start3A_751 : memref<1x128xi32, #tpu.memory_space<vmem>> -> memref<128xi32, #tpu.memory_space<vmem>>
      %dma_start3A_753 = arith.constant 0 : i32
      %dma_start3A_754 = tpu.memref_slice %dma_start3A_752[%dma_start3A_753] : memref<128xi32, #tpu.memory_space<vmem>> -> memref<100xi32, #tpu.memory_space<vmem>>
      %dma_start3A_755 = arith.constant 0 : i32
      %dma_start3A_756 = arith.constant 0 : i32
      %dma_start3A_757 = tpu.memref_slice %arg7[%dma_start3A_755, %dma_start3A_756] : memref<160x64xf32, #tpu.memory_space<vmem_shared>> -> memref<160x64xf32, #tpu.memory_space<vmem_shared>>
      tpu.enqueue_indirect_dma source(%dma_start3A_757 : memref<160x64xf32, #tpu.memory_space<vmem_shared>>) target(%dma_start3A_745 : memref<100x64xf32, #tpu.memory_space<vmem>>) offsets(%dma_start3A_754 : memref<100xi32, #tpu.memory_space<vmem>>) semaphore(%arg9 : memref<!tpu.dma_semaphore, #tpu.memory_space<semaphore_mem>>)
      %dma_start3A_758 = arith.constant 1 : i32
      %dma_start3A_759 = arith.constant 6 : i32
      %dma_start3A_760 = arith.constant 1 : i32
      %dma_start3A_761 = arith.constant 3 : i32
      %dma_start3A_762 = arith.constant 0 : i32
      %dma_start3A_763 = arith.constant 0 : i32
      %dma_start3A_764 = arith.constant 0 : i32
      %dma_start3A_765 = tpu.memref_slice %arg6[%dma_start3A_760, %dma_start3A_762, %dma_start3A_763, %dma_start3A_764] : memref<2x4x200x64xf32, #tpu.memory_space<vmem>> -> memref<1x4x200x64xf32, #tpu.memory_space<vmem>>
      %dma_start3A_766 = tpu.memref_squeeze %dma_start3A_765 : memref<1x4x200x64xf32, #tpu.memory_space<vmem>> -> memref<4x200x64xf32, #tpu.memory_space<vmem>>
      %dma_start3A_767 = arith.constant 0 : i32
      %dma_start3A_768 = arith.constant 0 : i32
      %dma_start3A_769 = tpu.memref_slice %dma_start3A_766[%dma_start3A_761, %dma_start3A_767, %dma_start3A_768] : memref<4x200x64xf32, #tpu.memory_space<vmem>> -> memref<1x200x64xf32, #tpu.memory_space<vmem>>
      %dma_start3A_770 = tpu.memref_squeeze %dma_start3A_769 : memref<1x200x64xf32, #tpu.memory_space<vmem>> -> memref<200x64xf32, #tpu.memory_space<vmem>>
      %dma_start3A_771 = arith.constant 0 : i32
      %dma_start3A_772 = arith.constant 0 : i32
      %dma_start3A_773 = tpu.memref_slice %dma_start3A_770[%dma_start3A_771, %dma_start3A_772] : memref<200x64xf32, #tpu.memory_space<vmem>> -> memref<100x64xf32, #tpu.memory_space<vmem>>
      %dma_start3A_774 = arith.constant 0 : i32
      %dma_start3A_775 = arith.constant 0 : i32
      %dma_start3A_776 = tpu.memref_slice %arg5[%dma_start3A_758, %dma_start3A_774, %dma_start3A_775] : memref<2x8x128xi32, #tpu.memory_space<vmem>> -> memref<1x8x128xi32, #tpu.memory_space<vmem>>
      %dma_start3A_777 = tpu.memref_squeeze %dma_start3A_776 : memref<1x8x128xi32, #tpu.memory_space<vmem>> -> memref<8x128xi32, #tpu.memory_space<vmem>>
      %dma_start3A_778 = arith.constant 0 : i32
      %dma_start3A_779 = tpu.memref_slice %dma_start3A_777[%dma_start3A_759, %dma_start3A_778] : memref<8x128xi32, #tpu.memory_space<vmem>> -> memref<1x128xi32, #tpu.memory_space<vmem>>
      %dma_start3A_780 = tpu.memref_squeeze %dma_start3A_779 : memref<1x128xi32, #tpu.memory_space<vmem>> -> memref<128xi32, #tpu.memory_space<vmem>>
      %dma_start3A_781 = arith.constant 0 : i32
      %dma_start3A_782 = tpu.memref_slice %dma_start3A_780[%dma_start3A_781] : memref<128xi32, #tpu.memory_space<vmem>> -> memref<100xi32, #tpu.memory_space<vmem>>
      %dma_start3A_783 = arith.constant 0 : i32
      %dma_start3A_784 = arith.constant 0 : i32
      %dma_start3A_785 = tpu.memref_slice %arg7[%dma_start3A_783, %dma_start3A_784] : memref<160x64xf32, #tpu.memory_space<vmem_shared>> -> memref<160x64xf32, #tpu.memory_space<vmem_shared>>
      tpu.enqueue_indirect_dma source(%dma_start3A_785 : memref<160x64xf32, #tpu.memory_space<vmem_shared>>) target(%dma_start3A_773 : memref<100x64xf32, #tpu.memory_space<vmem>>) offsets(%dma_start3A_782 : memref<100xi32, #tpu.memory_space<vmem>>) semaphore(%arg9 : memref<!tpu.dma_semaphore, #tpu.memory_space<semaphore_mem>>)
      %dma_start3A_786 = arith.constant 1 : i32
      %dma_start3A_787 = arith.constant 7 : i32
      %dma_start3A_788 = arith.constant 1 : i32
      %dma_start3A_789 = arith.constant 3 : i32
      %dma_start3A_790 = arith.constant 0 : i32
      %dma_start3A_791 = arith.constant 0 : i32
      %dma_start3A_792 = arith.constant 0 : i32
      %dma_start3A_793 = tpu.memref_slice %arg6[%dma_start3A_788, %dma_start3A_790, %dma_start3A_791, %dma_start3A_792] : memref<2x4x200x64xf32, #tpu.memory_space<vmem>> -> memref<1x4x200x64xf32, #tpu.memory_space<vmem>>
      %dma_start3A_794 = tpu.memref_squeeze %dma_start3A_793 : memref<1x4x200x64xf32, #tpu.memory_space<vmem>> -> memref<4x200x64xf32, #tpu.memory_space<vmem>>
      %dma_start3A_795 = arith.constant 0 : i32
      %dma_start3A_796 = arith.constant 0 : i32
      %dma_start3A_797 = tpu.memref_slice %dma_start3A_794[%dma_start3A_789, %dma_start3A_795, %dma_start3A_796] : memref<4x200x64xf32, #tpu.memory_space<vmem>> -> memref<1x200x64xf32, #tpu.memory_space<vmem>>
      %dma_start3A_798 = tpu.memref_squeeze %dma_start3A_797 : memref<1x200x64xf32, #tpu.memory_space<vmem>> -> memref<200x64xf32, #tpu.memory_space<vmem>>
      %dma_start3A_799 = arith.constant 100 : i32
      %dma_start3A_800 = arith.constant 0 : i32
      %dma_start3A_801 = tpu.memref_slice %dma_start3A_798[%dma_start3A_799, %dma_start3A_800] : memref<200x64xf32, #tpu.memory_space<vmem>> -> memref<100x64xf32, #tpu.memory_space<vmem>>
      %dma_start3A_802 = arith.constant 0 : i32
      %dma_start3A_803 = arith.constant 0 : i32
      %dma_start3A_804 = tpu.memref_slice %arg5[%dma_start3A_786, %dma_start3A_802, %dma_start3A_803] : memref<2x8x128xi32, #tpu.memory_space<vmem>> -> memref<1x8x128xi32, #tpu.memory_space<vmem>>
      %dma_start3A_805 = tpu.memref_squeeze %dma_start3A_804 : memref<1x8x128xi32, #tpu.memory_space<vmem>> -> memref<8x128xi32, #tpu.memory_space<vmem>>
      %dma_start3A_806 = arith.constant 0 : i32
      %dma_start3A_807 = tpu.memref_slice %dma_start3A_805[%dma_start3A_787, %dma_start3A_806] : memref<8x128xi32, #tpu.memory_space<vmem>> -> memref<1x128xi32, #tpu.memory_space<vmem>>
      %dma_start3A_808 = tpu.memref_squeeze %dma_start3A_807 : memref<1x128xi32, #tpu.memory_space<vmem>> -> memref<128xi32, #tpu.memory_space<vmem>>
      %dma_start3A_809 = arith.constant 0 : i32
      %dma_start3A_810 = tpu.memref_slice %dma_start3A_808[%dma_start3A_809] : memref<128xi32, #tpu.memory_space<vmem>> -> memref<100xi32, #tpu.memory_space<vmem>>
      %dma_start3A_811 = arith.constant 0 : i32
      %dma_start3A_812 = arith.constant 0 : i32
      %dma_start3A_813 = tpu.memref_slice %arg7[%dma_start3A_811, %dma_start3A_812] : memref<160x64xf32, #tpu.memory_space<vmem_shared>> -> memref<160x64xf32, #tpu.memory_space<vmem_shared>>
      tpu.enqueue_indirect_dma source(%dma_start3A_813 : memref<160x64xf32, #tpu.memory_space<vmem_shared>>) target(%dma_start3A_801 : memref<100x64xf32, #tpu.memory_space<vmem>>) offsets(%dma_start3A_810 : memref<100xi32, #tpu.memory_space<vmem>>) semaphore(%arg9 : memref<!tpu.dma_semaphore, #tpu.memory_space<semaphore_mem>>)
      %dma_wait3A_814 = arith.constant 1 : i32
      %dma_wait3A_815 = arith.constant 0 : i32
      %dma_wait3A_816 = arith.constant 1 : i32
      %dma_wait3A_817 = arith.constant 0 : i32
      %dma_wait3A_818 = arith.constant 0 : i32
      %dma_wait3A_819 = arith.constant 0 : i32
      %dma_wait3A_820 = arith.constant 0 : i32
      %dma_wait3A_821 = tpu.memref_slice %arg6[%dma_wait3A_816, %dma_wait3A_818, %dma_wait3A_819, %dma_wait3A_820] : memref<2x4x200x64xf32, #tpu.memory_space<vmem>> -> memref<1x4x200x64xf32, #tpu.memory_space<vmem>>
      %dma_wait3A_822 = tpu.memref_squeeze %dma_wait3A_821 : memref<1x4x200x64xf32, #tpu.memory_space<vmem>> -> memref<4x200x64xf32, #tpu.memory_space<vmem>>
      %dma_wait3A_823 = arith.constant 0 : i32
      %dma_wait3A_824 = arith.constant 0 : i32
      %dma_wait3A_825 = tpu.memref_slice %dma_wait3A_822[%dma_wait3A_817, %dma_wait3A_823, %dma_wait3A_824] : memref<4x200x64xf32, #tpu.memory_space<vmem>> -> memref<1x200x64xf32, #tpu.memory_space<vmem>>
      %dma_wait3A_826 = tpu.memref_squeeze %dma_wait3A_825 : memref<1x200x64xf32, #tpu.memory_space<vmem>> -> memref<200x64xf32, #tpu.memory_space<vmem>>
      %dma_wait3A_827 = arith.constant 0 : i32
      %dma_wait3A_828 = arith.constant 0 : i32
      %dma_wait3A_829 = tpu.memref_slice %dma_wait3A_826[%dma_wait3A_827, %dma_wait3A_828] : memref<200x64xf32, #tpu.memory_space<vmem>> -> memref<100x64xf32, #tpu.memory_space<vmem>>
      %dma_wait3A_830 = arith.constant 0 : i32
      %dma_wait3A_831 = arith.constant 0 : i32
      %dma_wait3A_832 = tpu.memref_slice %arg5[%dma_wait3A_814, %dma_wait3A_830, %dma_wait3A_831] : memref<2x8x128xi32, #tpu.memory_space<vmem>> -> memref<1x8x128xi32, #tpu.memory_space<vmem>>
      %dma_wait3A_833 = tpu.memref_squeeze %dma_wait3A_832 : memref<1x8x128xi32, #tpu.memory_space<vmem>> -> memref<8x128xi32, #tpu.memory_space<vmem>>
      %dma_wait3A_834 = arith.constant 0 : i32
      %dma_wait3A_835 = tpu.memref_slice %dma_wait3A_833[%dma_wait3A_815, %dma_wait3A_834] : memref<8x128xi32, #tpu.memory_space<vmem>> -> memref<1x128xi32, #tpu.memory_space<vmem>>
      %dma_wait3A_836 = tpu.memref_squeeze %dma_wait3A_835 : memref<1x128xi32, #tpu.memory_space<vmem>> -> memref<128xi32, #tpu.memory_space<vmem>>
      %dma_wait3A_837 = arith.constant 0 : i32
      %dma_wait3A_838 = tpu.memref_slice %dma_wait3A_836[%dma_wait3A_837] : memref<128xi32, #tpu.memory_space<vmem>> -> memref<100xi32, #tpu.memory_space<vmem>>
      %dma_wait3A_839 = arith.constant 0 : i32
      %dma_wait3A_840 = arith.constant 0 : i32
      %dma_wait3A_841 = tpu.memref_slice %arg7[%dma_wait3A_839, %dma_wait3A_840] : memref<160x64xf32, #tpu.memory_space<vmem_shared>> -> memref<160x64xf32, #tpu.memory_space<vmem_shared>>
      tpu.wait_indirect_dma semaphore(%arg9 : memref<!tpu.dma_semaphore, #tpu.memory_space<semaphore_mem>>) src(%dma_wait3A_841 : memref<160x64xf32, #tpu.memory_space<vmem_shared>>) dst(%dma_wait3A_829 : memref<100x64xf32, #tpu.memory_space<vmem>>)
      %dma_wait3A_842 = arith.constant 1 : i32
      %dma_wait3A_843 = arith.constant 1 : i32
      %dma_wait3A_844 = arith.constant 1 : i32
      %dma_wait3A_845 = arith.constant 0 : i32
      %dma_wait3A_846 = arith.constant 0 : i32
      %dma_wait3A_847 = arith.constant 0 : i32
      %dma_wait3A_848 = arith.constant 0 : i32
      %dma_wait3A_849 = tpu.memref_slice %arg6[%dma_wait3A_844, %dma_wait3A_846, %dma_wait3A_847, %dma_wait3A_848] : memref<2x4x200x64xf32, #tpu.memory_space<vmem>> -> memref<1x4x200x64xf32, #tpu.memory_space<vmem>>
      %dma_wait3A_850 = tpu.memref_squeeze %dma_wait3A_849 : memref<1x4x200x64xf32, #tpu.memory_space<vmem>> -> memref<4x200x64xf32, #tpu.memory_space<vmem>>
      %dma_wait3A_851 = arith.constant 0 : i32
      %dma_wait3A_852 = arith.constant 0 : i32
      %dma_wait3A_853 = tpu.memref_slice %dma_wait3A_850[%dma_wait3A_845, %dma_wait3A_851, %dma_wait3A_852] : memref<4x200x64xf32, #tpu.memory_space<vmem>> -> memref<1x200x64xf32, #tpu.memory_space<vmem>>
      %dma_wait3A_854 = tpu.memref_squeeze %dma_wait3A_853 : memref<1x200x64xf32, #tpu.memory_space<vmem>> -> memref<200x64xf32, #tpu.memory_space<vmem>>
      %dma_wait3A_855 = arith.constant 100 : i32
      %dma_wait3A_856 = arith.constant 0 : i32
      %dma_wait3A_857 = tpu.memref_slice %dma_wait3A_854[%dma_wait3A_855, %dma_wait3A_856] : memref<200x64xf32, #tpu.memory_space<vmem>> -> memref<100x64xf32, #tpu.memory_space<vmem>>
      %dma_wait3A_858 = arith.constant 0 : i32
      %dma_wait3A_859 = arith.constant 0 : i32
      %dma_wait3A_860 = tpu.memref_slice %arg5[%dma_wait3A_842, %dma_wait3A_858, %dma_wait3A_859] : memref<2x8x128xi32, #tpu.memory_space<vmem>> -> memref<1x8x128xi32, #tpu.memory_space<vmem>>
      %dma_wait3A_861 = tpu.memref_squeeze %dma_wait3A_860 : memref<1x8x128xi32, #tpu.memory_space<vmem>> -> memref<8x128xi32, #tpu.memory_space<vmem>>
      %dma_wait3A_862 = arith.constant 0 : i32
      %dma_wait3A_863 = tpu.memref_slice %dma_wait3A_861[%dma_wait3A_843, %dma_wait3A_862] : memref<8x128xi32, #tpu.memory_space<vmem>> -> memref<1x128xi32, #tpu.memory_space<vmem>>
      %dma_wait3A_864 = tpu.memref_squeeze %dma_wait3A_863 : memref<1x128xi32, #tpu.memory_space<vmem>> -> memref<128xi32, #tpu.memory_space<vmem>>
      %dma_wait3A_865 = arith.constant 0 : i32
      %dma_wait3A_866 = tpu.memref_slice %dma_wait3A_864[%dma_wait3A_865] : memref<128xi32, #tpu.memory_space<vmem>> -> memref<100xi32, #tpu.memory_space<vmem>>
      %dma_wait3A_867 = arith.constant 0 : i32
      %dma_wait3A_868 = arith.constant 0 : i32
      %dma_wait3A_869 = tpu.memref_slice %arg7[%dma_wait3A_867, %dma_wait3A_868] : memref<160x64xf32, #tpu.memory_space<vmem_shared>> -> memref<160x64xf32, #tpu.memory_space<vmem_shared>>
      tpu.wait_indirect_dma semaphore(%arg9 : memref<!tpu.dma_semaphore, #tpu.memory_space<semaphore_mem>>) src(%dma_wait3A_869 : memref<160x64xf32, #tpu.memory_space<vmem_shared>>) dst(%dma_wait3A_857 : memref<100x64xf32, #tpu.memory_space<vmem>>)
      %dma_wait3A_870 = arith.constant 1 : i32
      %dma_wait3A_871 = arith.constant 2 : i32
      %dma_wait3A_872 = arith.constant 1 : i32
      %dma_wait3A_873 = arith.constant 1 : i32
      %dma_wait3A_874 = arith.constant 0 : i32
      %dma_wait3A_875 = arith.constant 0 : i32
      %dma_wait3A_876 = arith.constant 0 : i32
      %dma_wait3A_877 = tpu.memref_slice %arg6[%dma_wait3A_872, %dma_wait3A_874, %dma_wait3A_875, %dma_wait3A_876] : memref<2x4x200x64xf32, #tpu.memory_space<vmem>> -> memref<1x4x200x64xf32, #tpu.memory_space<vmem>>
      %dma_wait3A_878 = tpu.memref_squeeze %dma_wait3A_877 : memref<1x4x200x64xf32, #tpu.memory_space<vmem>> -> memref<4x200x64xf32, #tpu.memory_space<vmem>>
      %dma_wait3A_879 = arith.constant 0 : i32
      %dma_wait3A_880 = arith.constant 0 : i32
      %dma_wait3A_881 = tpu.memref_slice %dma_wait3A_878[%dma_wait3A_873, %dma_wait3A_879, %dma_wait3A_880] : memref<4x200x64xf32, #tpu.memory_space<vmem>> -> memref<1x200x64xf32, #tpu.memory_space<vmem>>
      %dma_wait3A_882 = tpu.memref_squeeze %dma_wait3A_881 : memref<1x200x64xf32, #tpu.memory_space<vmem>> -> memref<200x64xf32, #tpu.memory_space<vmem>>
      %dma_wait3A_883 = arith.constant 0 : i32
      %dma_wait3A_884 = arith.constant 0 : i32
      %dma_wait3A_885 = tpu.memref_slice %dma_wait3A_882[%dma_wait3A_883, %dma_wait3A_884] : memref<200x64xf32, #tpu.memory_space<vmem>> -> memref<100x64xf32, #tpu.memory_space<vmem>>
      %dma_wait3A_886 = arith.constant 0 : i32
      %dma_wait3A_887 = arith.constant 0 : i32
      %dma_wait3A_888 = tpu.memref_slice %arg5[%dma_wait3A_870, %dma_wait3A_886, %dma_wait3A_887] : memref<2x8x128xi32, #tpu.memory_space<vmem>> -> memref<1x8x128xi32, #tpu.memory_space<vmem>>
      %dma_wait3A_889 = tpu.memref_squeeze %dma_wait3A_888 : memref<1x8x128xi32, #tpu.memory_space<vmem>> -> memref<8x128xi32, #tpu.memory_space<vmem>>
      %dma_wait3A_890 = arith.constant 0 : i32
      %dma_wait3A_891 = tpu.memref_slice %dma_wait3A_889[%dma_wait3A_871, %dma_wait3A_890] : memref<8x128xi32, #tpu.memory_space<vmem>> -> memref<1x128xi32, #tpu.memory_space<vmem>>
      %dma_wait3A_892 = tpu.memref_squeeze %dma_wait3A_891 : memref<1x128xi32, #tpu.memory_space<vmem>> -> memref<128xi32, #tpu.memory_space<vmem>>
      %dma_wait3A_893 = arith.constant 0 : i32
      %dma_wait3A_894 = tpu.memref_slice %dma_wait3A_892[%dma_wait3A_893] : memref<128xi32, #tpu.memory_space<vmem>> -> memref<100xi32, #tpu.memory_space<vmem>>
      %dma_wait3A_895 = arith.constant 0 : i32
      %dma_wait3A_896 = arith.constant 0 : i32
      %dma_wait3A_897 = tpu.memref_slice %arg7[%dma_wait3A_895, %dma_wait3A_896] : memref<160x64xf32, #tpu.memory_space<vmem_shared>> -> memref<160x64xf32, #tpu.memory_space<vmem_shared>>
      tpu.wait_indirect_dma semaphore(%arg9 : memref<!tpu.dma_semaphore, #tpu.memory_space<semaphore_mem>>) src(%dma_wait3A_897 : memref<160x64xf32, #tpu.memory_space<vmem_shared>>) dst(%dma_wait3A_885 : memref<100x64xf32, #tpu.memory_space<vmem>>)
      %dma_wait3A_898 = arith.constant 1 : i32
      %dma_wait3A_899 = arith.constant 3 : i32
      %dma_wait3A_900 = arith.constant 1 : i32
      %dma_wait3A_901 = arith.constant 1 : i32
      %dma_wait3A_902 = arith.constant 0 : i32
      %dma_wait3A_903 = arith.constant 0 : i32
      %dma_wait3A_904 = arith.constant 0 : i32
      %dma_wait3A_905 = tpu.memref_slice %arg6[%dma_wait3A_900, %dma_wait3A_902, %dma_wait3A_903, %dma_wait3A_904] : memref<2x4x200x64xf32, #tpu.memory_space<vmem>> -> memref<1x4x200x64xf32, #tpu.memory_space<vmem>>
      %dma_wait3A_906 = tpu.memref_squeeze %dma_wait3A_905 : memref<1x4x200x64xf32, #tpu.memory_space<vmem>> -> memref<4x200x64xf32, #tpu.memory_space<vmem>>
      %dma_wait3A_907 = arith.constant 0 : i32
      %dma_wait3A_908 = arith.constant 0 : i32
      %dma_wait3A_909 = tpu.memref_slice %dma_wait3A_906[%dma_wait3A_901, %dma_wait3A_907, %dma_wait3A_908] : memref<4x200x64xf32, #tpu.memory_space<vmem>> -> memref<1x200x64xf32, #tpu.memory_space<vmem>>
      %dma_wait3A_910 = tpu.memref_squeeze %dma_wait3A_909 : memref<1x200x64xf32, #tpu.memory_space<vmem>> -> memref<200x64xf32, #tpu.memory_space<vmem>>
      %dma_wait3A_911 = arith.constant 100 : i32
      %dma_wait3A_912 = arith.constant 0 : i32
      %dma_wait3A_913 = tpu.memref_slice %dma_wait3A_910[%dma_wait3A_911, %dma_wait3A_912] : memref<200x64xf32, #tpu.memory_space<vmem>> -> memref<100x64xf32, #tpu.memory_space<vmem>>
      %dma_wait3A_914 = arith.constant 0 : i32
      %dma_wait3A_915 = arith.constant 0 : i32
      %dma_wait3A_916 = tpu.memref_slice %arg5[%dma_wait3A_898, %dma_wait3A_914, %dma_wait3A_915] : memref<2x8x128xi32, #tpu.memory_space<vmem>> -> memref<1x8x128xi32, #tpu.memory_space<vmem>>
      %dma_wait3A_917 = tpu.memref_squeeze %dma_wait3A_916 : memref<1x8x128xi32, #tpu.memory_space<vmem>> -> memref<8x128xi32, #tpu.memory_space<vmem>>
      %dma_wait3A_918 = arith.constant 0 : i32
      %dma_wait3A_919 = tpu.memref_slice %dma_wait3A_917[%dma_wait3A_899, %dma_wait3A_918] : memref<8x128xi32, #tpu.memory_space<vmem>> -> memref<1x128xi32, #tpu.memory_space<vmem>>
      %dma_wait3A_920 = tpu.memref_squeeze %dma_wait3A_919 : memref<1x128xi32, #tpu.memory_space<vmem>> -> memref<128xi32, #tpu.memory_space<vmem>>
      %dma_wait3A_921 = arith.constant 0 : i32
      %dma_wait3A_922 = tpu.memref_slice %dma_wait3A_920[%dma_wait3A_921] : memref<128xi32, #tpu.memory_space<vmem>> -> memref<100xi32, #tpu.memory_space<vmem>>
      %dma_wait3A_923 = arith.constant 0 : i32
      %dma_wait3A_924 = arith.constant 0 : i32
      %dma_wait3A_925 = tpu.memref_slice %arg7[%dma_wait3A_923, %dma_wait3A_924] : memref<160x64xf32, #tpu.memory_space<vmem_shared>> -> memref<160x64xf32, #tpu.memory_space<vmem_shared>>
      tpu.wait_indirect_dma semaphore(%arg9 : memref<!tpu.dma_semaphore, #tpu.memory_space<semaphore_mem>>) src(%dma_wait3A_925 : memref<160x64xf32, #tpu.memory_space<vmem_shared>>) dst(%dma_wait3A_913 : memref<100x64xf32, #tpu.memory_space<vmem>>)
      %dma_wait3A_926 = arith.constant 1 : i32
      %dma_wait3A_927 = arith.constant 4 : i32
      %dma_wait3A_928 = arith.constant 1 : i32
      %dma_wait3A_929 = arith.constant 2 : i32
      %dma_wait3A_930 = arith.constant 0 : i32
      %dma_wait3A_931 = arith.constant 0 : i32
      %dma_wait3A_932 = arith.constant 0 : i32
      %dma_wait3A_933 = tpu.memref_slice %arg6[%dma_wait3A_928, %dma_wait3A_930, %dma_wait3A_931, %dma_wait3A_932] : memref<2x4x200x64xf32, #tpu.memory_space<vmem>> -> memref<1x4x200x64xf32, #tpu.memory_space<vmem>>
      %dma_wait3A_934 = tpu.memref_squeeze %dma_wait3A_933 : memref<1x4x200x64xf32, #tpu.memory_space<vmem>> -> memref<4x200x64xf32, #tpu.memory_space<vmem>>
      %dma_wait3A_935 = arith.constant 0 : i32
      %dma_wait3A_936 = arith.constant 0 : i32
      %dma_wait3A_937 = tpu.memref_slice %dma_wait3A_934[%dma_wait3A_929, %dma_wait3A_935, %dma_wait3A_936] : memref<4x200x64xf32, #tpu.memory_space<vmem>> -> memref<1x200x64xf32, #tpu.memory_space<vmem>>
      %dma_wait3A_938 = tpu.memref_squeeze %dma_wait3A_937 : memref<1x200x64xf32, #tpu.memory_space<vmem>> -> memref<200x64xf32, #tpu.memory_space<vmem>>
      %dma_wait3A_939 = arith.constant 0 : i32
      %dma_wait3A_940 = arith.constant 0 : i32
      %dma_wait3A_941 = tpu.memref_slice %dma_wait3A_938[%dma_wait3A_939, %dma_wait3A_940] : memref<200x64xf32, #tpu.memory_space<vmem>> -> memref<100x64xf32, #tpu.memory_space<vmem>>
      %dma_wait3A_942 = arith.constant 0 : i32
      %dma_wait3A_943 = arith.constant 0 : i32
      %dma_wait3A_944 = tpu.memref_slice %arg5[%dma_wait3A_926, %dma_wait3A_942, %dma_wait3A_943] : memref<2x8x128xi32, #tpu.memory_space<vmem>> -> memref<1x8x128xi32, #tpu.memory_space<vmem>>
      %dma_wait3A_945 = tpu.memref_squeeze %dma_wait3A_944 : memref<1x8x128xi32, #tpu.memory_space<vmem>> -> memref<8x128xi32, #tpu.memory_space<vmem>>
      %dma_wait3A_946 = arith.constant 0 : i32
      %dma_wait3A_947 = tpu.memref_slice %dma_wait3A_945[%dma_wait3A_927, %dma_wait3A_946] : memref<8x128xi32, #tpu.memory_space<vmem>> -> memref<1x128xi32, #tpu.memory_space<vmem>>
      %dma_wait3A_948 = tpu.memref_squeeze %dma_wait3A_947 : memref<1x128xi32, #tpu.memory_space<vmem>> -> memref<128xi32, #tpu.memory_space<vmem>>
      %dma_wait3A_949 = arith.constant 0 : i32
      %dma_wait3A_950 = tpu.memref_slice %dma_wait3A_948[%dma_wait3A_949] : memref<128xi32, #tpu.memory_space<vmem>> -> memref<100xi32, #tpu.memory_space<vmem>>
      %dma_wait3A_951 = arith.constant 0 : i32
      %dma_wait3A_952 = arith.constant 0 : i32
      %dma_wait3A_953 = tpu.memref_slice %arg7[%dma_wait3A_951, %dma_wait3A_952] : memref<160x64xf32, #tpu.memory_space<vmem_shared>> -> memref<160x64xf32, #tpu.memory_space<vmem_shared>>
      tpu.wait_indirect_dma semaphore(%arg9 : memref<!tpu.dma_semaphore, #tpu.memory_space<semaphore_mem>>) src(%dma_wait3A_953 : memref<160x64xf32, #tpu.memory_space<vmem_shared>>) dst(%dma_wait3A_941 : memref<100x64xf32, #tpu.memory_space<vmem>>)
      %dma_wait3A_954 = arith.constant 1 : i32
      %dma_wait3A_955 = arith.constant 5 : i32
      %dma_wait3A_956 = arith.constant 1 : i32
      %dma_wait3A_957 = arith.constant 2 : i32
      %dma_wait3A_958 = arith.constant 0 : i32
      %dma_wait3A_959 = arith.constant 0 : i32
      %dma_wait3A_960 = arith.constant 0 : i32
      %dma_wait3A_961 = tpu.memref_slice %arg6[%dma_wait3A_956, %dma_wait3A_958, %dma_wait3A_959, %dma_wait3A_960] : memref<2x4x200x64xf32, #tpu.memory_space<vmem>> -> memref<1x4x200x64xf32, #tpu.memory_space<vmem>>
      %dma_wait3A_962 = tpu.memref_squeeze %dma_wait3A_961 : memref<1x4x200x64xf32, #tpu.memory_space<vmem>> -> memref<4x200x64xf32, #tpu.memory_space<vmem>>
      %dma_wait3A_963 = arith.constant 0 : i32
      %dma_wait3A_964 = arith.constant 0 : i32
      %dma_wait3A_965 = tpu.memref_slice %dma_wait3A_962[%dma_wait3A_957, %dma_wait3A_963, %dma_wait3A_964] : memref<4x200x64xf32, #tpu.memory_space<vmem>> -> memref<1x200x64xf32, #tpu.memory_space<vmem>>
      %dma_wait3A_966 = tpu.memref_squeeze %dma_wait3A_965 : memref<1x200x64xf32, #tpu.memory_space<vmem>> -> memref<200x64xf32, #tpu.memory_space<vmem>>
      %dma_wait3A_967 = arith.constant 100 : i32
      %dma_wait3A_968 = arith.constant 0 : i32
      %dma_wait3A_969 = tpu.memref_slice %dma_wait3A_966[%dma_wait3A_967, %dma_wait3A_968] : memref<200x64xf32, #tpu.memory_space<vmem>> -> memref<100x64xf32, #tpu.memory_space<vmem>>
      %dma_wait3A_970 = arith.constant 0 : i32
      %dma_wait3A_971 = arith.constant 0 : i32
      %dma_wait3A_972 = tpu.memref_slice %arg5[%dma_wait3A_954, %dma_wait3A_970, %dma_wait3A_971] : memref<2x8x128xi32, #tpu.memory_space<vmem>> -> memref<1x8x128xi32, #tpu.memory_space<vmem>>
      %dma_wait3A_973 = tpu.memref_squeeze %dma_wait3A_972 : memref<1x8x128xi32, #tpu.memory_space<vmem>> -> memref<8x128xi32, #tpu.memory_space<vmem>>
      %dma_wait3A_974 = arith.constant 0 : i32
      %dma_wait3A_975 = tpu.memref_slice %dma_wait3A_973[%dma_wait3A_955, %dma_wait3A_974] : memref<8x128xi32, #tpu.memory_space<vmem>> -> memref<1x128xi32, #tpu.memory_space<vmem>>
      %dma_wait3A_976 = tpu.memref_squeeze %dma_wait3A_975 : memref<1x128xi32, #tpu.memory_space<vmem>> -> memref<128xi32, #tpu.memory_space<vmem>>
      %dma_wait3A_977 = arith.constant 0 : i32
      %dma_wait3A_978 = tpu.memref_slice %dma_wait3A_976[%dma_wait3A_977] : memref<128xi32, #tpu.memory_space<vmem>> -> memref<100xi32, #tpu.memory_space<vmem>>
      %dma_wait3A_979 = arith.constant 0 : i32
      %dma_wait3A_980 = arith.constant 0 : i32
      %dma_wait3A_981 = tpu.memref_slice %arg7[%dma_wait3A_979, %dma_wait3A_980] : memref<160x64xf32, #tpu.memory_space<vmem_shared>> -> memref<160x64xf32, #tpu.memory_space<vmem_shared>>
      tpu.wait_indirect_dma semaphore(%arg9 : memref<!tpu.dma_semaphore, #tpu.memory_space<semaphore_mem>>) src(%dma_wait3A_981 : memref<160x64xf32, #tpu.memory_space<vmem_shared>>) dst(%dma_wait3A_969 : memref<100x64xf32, #tpu.memory_space<vmem>>)
      %dma_wait3A_982 = arith.constant 1 : i32
      %dma_wait3A_983 = arith.constant 6 : i32
      %dma_wait3A_984 = arith.constant 1 : i32
      %dma_wait3A_985 = arith.constant 3 : i32
      %dma_wait3A_986 = arith.constant 0 : i32
      %dma_wait3A_987 = arith.constant 0 : i32
      %dma_wait3A_988 = arith.constant 0 : i32
      %dma_wait3A_989 = tpu.memref_slice %arg6[%dma_wait3A_984, %dma_wait3A_986, %dma_wait3A_987, %dma_wait3A_988] : memref<2x4x200x64xf32, #tpu.memory_space<vmem>> -> memref<1x4x200x64xf32, #tpu.memory_space<vmem>>
      %dma_wait3A_990 = tpu.memref_squeeze %dma_wait3A_989 : memref<1x4x200x64xf32, #tpu.memory_space<vmem>> -> memref<4x200x64xf32, #tpu.memory_space<vmem>>
      %dma_wait3A_991 = arith.constant 0 : i32
      %dma_wait3A_992 = arith.constant 0 : i32
      %dma_wait3A_993 = tpu.memref_slice %dma_wait3A_990[%dma_wait3A_985, %dma_wait3A_991, %dma_wait3A_992] : memref<4x200x64xf32, #tpu.memory_space<vmem>> -> memref<1x200x64xf32, #tpu.memory_space<vmem>>
      %dma_wait3A_994 = tpu.memref_squeeze %dma_wait3A_993 : memref<1x200x64xf32, #tpu.memory_space<vmem>> -> memref<200x64xf32, #tpu.memory_space<vmem>>
      %dma_wait3A_995 = arith.constant 0 : i32
      %dma_wait3A_996 = arith.constant 0 : i32
      %dma_wait3A_997 = tpu.memref_slice %dma_wait3A_994[%dma_wait3A_995, %dma_wait3A_996] : memref<200x64xf32, #tpu.memory_space<vmem>> -> memref<100x64xf32, #tpu.memory_space<vmem>>
      %dma_wait3A_998 = arith.constant 0 : i32
      %dma_wait3A_999 = arith.constant 0 : i32
      %dma_wait3A_1000 = tpu.memref_slice %arg5[%dma_wait3A_982, %dma_wait3A_998, %dma_wait3A_999] : memref<2x8x128xi32, #tpu.memory_space<vmem>> -> memref<1x8x128xi32, #tpu.memory_space<vmem>>
      %dma_wait3A_1001 = tpu.memref_squeeze %dma_wait3A_1000 : memref<1x8x128xi32, #tpu.memory_space<vmem>> -> memref<8x128xi32, #tpu.memory_space<vmem>>
      %dma_wait3A_1002 = arith.constant 0 : i32
      %dma_wait3A_1003 = tpu.memref_slice %dma_wait3A_1001[%dma_wait3A_983, %dma_wait3A_1002] : memref<8x128xi32, #tpu.memory_space<vmem>> -> memref<1x128xi32, #tpu.memory_space<vmem>>
      %dma_wait3A_1004 = tpu.memref_squeeze %dma_wait3A_1003 : memref<1x128xi32, #tpu.memory_space<vmem>> -> memref<128xi32, #tpu.memory_space<vmem>>
      %dma_wait3A_1005 = arith.constant 0 : i32
      %dma_wait3A_1006 = tpu.memref_slice %dma_wait3A_1004[%dma_wait3A_1005] : memref<128xi32, #tpu.memory_space<vmem>> -> memref<100xi32, #tpu.memory_space<vmem>>
      %dma_wait3A_1007 = arith.constant 0 : i32
      %dma_wait3A_1008 = arith.constant 0 : i32
      %dma_wait3A_1009 = tpu.memref_slice %arg7[%dma_wait3A_1007, %dma_wait3A_1008] : memref<160x64xf32, #tpu.memory_space<vmem_shared>> -> memref<160x64xf32, #tpu.memory_space<vmem_shared>>
      tpu.wait_indirect_dma semaphore(%arg9 : memref<!tpu.dma_semaphore, #tpu.memory_space<semaphore_mem>>) src(%dma_wait3A_1009 : memref<160x64xf32, #tpu.memory_space<vmem_shared>>) dst(%dma_wait3A_997 : memref<100x64xf32, #tpu.memory_space<vmem>>)
      %dma_wait3A_1010 = arith.constant 1 : i32
      %dma_wait3A_1011 = arith.constant 7 : i32
      %dma_wait3A_1012 = arith.constant 1 : i32
      %dma_wait3A_1013 = arith.constant 3 : i32
      %dma_wait3A_1014 = arith.constant 0 : i32
      %dma_wait3A_1015 = arith.constant 0 : i32
      %dma_wait3A_1016 = arith.constant 0 : i32
      %dma_wait3A_1017 = tpu.memref_slice %arg6[%dma_wait3A_1012, %dma_wait3A_1014, %dma_wait3A_1015, %dma_wait3A_1016] : memref<2x4x200x64xf32, #tpu.memory_space<vmem>> -> memref<1x4x200x64xf32, #tpu.memory_space<vmem>>
      %dma_wait3A_1018 = tpu.memref_squeeze %dma_wait3A_1017 : memref<1x4x200x64xf32, #tpu.memory_space<vmem>> -> memref<4x200x64xf32, #tpu.memory_space<vmem>>
      %dma_wait3A_1019 = arith.constant 0 : i32
      %dma_wait3A_1020 = arith.constant 0 : i32
      %dma_wait3A_1021 = tpu.memref_slice %dma_wait3A_1018[%dma_wait3A_1013, %dma_wait3A_1019, %dma_wait3A_1020] : memref<4x200x64xf32, #tpu.memory_space<vmem>> -> memref<1x200x64xf32, #tpu.memory_space<vmem>>
      %dma_wait3A_1022 = tpu.memref_squeeze %dma_wait3A_1021 : memref<1x200x64xf32, #tpu.memory_space<vmem>> -> memref<200x64xf32, #tpu.memory_space<vmem>>
      %dma_wait3A_1023 = arith.constant 100 : i32
      %dma_wait3A_1024 = arith.constant 0 : i32
      %dma_wait3A_1025 = tpu.memref_slice %dma_wait3A_1022[%dma_wait3A_1023, %dma_wait3A_1024] : memref<200x64xf32, #tpu.memory_space<vmem>> -> memref<100x64xf32, #tpu.memory_space<vmem>>
      %dma_wait3A_1026 = arith.constant 0 : i32
      %dma_wait3A_1027 = arith.constant 0 : i32
      %dma_wait3A_1028 = tpu.memref_slice %arg5[%dma_wait3A_1010, %dma_wait3A_1026, %dma_wait3A_1027] : memref<2x8x128xi32, #tpu.memory_space<vmem>> -> memref<1x8x128xi32, #tpu.memory_space<vmem>>
      %dma_wait3A_1029 = tpu.memref_squeeze %dma_wait3A_1028 : memref<1x8x128xi32, #tpu.memory_space<vmem>> -> memref<8x128xi32, #tpu.memory_space<vmem>>
      %dma_wait3A_1030 = arith.constant 0 : i32
      %dma_wait3A_1031 = tpu.memref_slice %dma_wait3A_1029[%dma_wait3A_1011, %dma_wait3A_1030] : memref<8x128xi32, #tpu.memory_space<vmem>> -> memref<1x128xi32, #tpu.memory_space<vmem>>
      %dma_wait3A_1032 = tpu.memref_squeeze %dma_wait3A_1031 : memref<1x128xi32, #tpu.memory_space<vmem>> -> memref<128xi32, #tpu.memory_space<vmem>>
      %dma_wait3A_1033 = arith.constant 0 : i32
      %dma_wait3A_1034 = tpu.memref_slice %dma_wait3A_1032[%dma_wait3A_1033] : memref<128xi32, #tpu.memory_space<vmem>> -> memref<100xi32, #tpu.memory_space<vmem>>
      %dma_wait3A_1035 = arith.constant 0 : i32
      %dma_wait3A_1036 = arith.constant 0 : i32
      %dma_wait3A_1037 = tpu.memref_slice %arg7[%dma_wait3A_1035, %dma_wait3A_1036] : memref<160x64xf32, #tpu.memory_space<vmem_shared>> -> memref<160x64xf32, #tpu.memory_space<vmem_shared>>
      tpu.wait_indirect_dma semaphore(%arg9 : memref<!tpu.dma_semaphore, #tpu.memory_space<semaphore_mem>>) src(%dma_wait3A_1037 : memref<160x64xf32, #tpu.memory_space<vmem_shared>>) dst(%dma_wait3A_1025 : memref<100x64xf32, #tpu.memory_space<vmem>>)
      %mul3A_1038 = arith.constant 4 : i32
      %mul3A_1039 = arith.muli %add3A_562, %mul3A_1038 : i32
      %add3A_1040 = arith.addi %mul3A_6, %mul3A_1039 : i32
      %dma_start3A_1041 = arith.constant 1 : i32
      %dma_start3A_1042 = arith.constant 0 : i32
      %dma_start3A_1043 = arith.constant 0 : i32
      %dma_start3A_1044 = arith.constant 0 : i32
      %dma_start3A_1045 = tpu.memref_slice %arg6[%dma_start3A_1041, %dma_start3A_1042, %dma_start3A_1043, %dma_start3A_1044] : memref<2x4x200x64xf32, #tpu.memory_space<vmem>> -> memref<1x4x200x64xf32, #tpu.memory_space<vmem>>
      %dma_start3A_1046 = tpu.memref_squeeze %dma_start3A_1045 : memref<1x4x200x64xf32, #tpu.memory_space<vmem>> -> memref<4x200x64xf32, #tpu.memory_space<vmem>>
      %dma_start3A_1047 = arith.constant 0 : i32
      %dma_start3A_1048 = arith.constant 0 : i32
      %dma_start3A_1049 = tpu.memref_slice %arg4[%add3A_1040, %dma_start3A_1047, %dma_start3A_1048] : memref<16384x200x128xf32, #tpu.memory_space<hbm>> -> memref<4x200x64xf32, #tpu.memory_space<hbm>>
      %dma_start3A_1050 = arith.constant 0 : i32
      %dma_start3A_1051 = arith.constant 0 : i32
      %dma_start3A_1052 = tpu.memref_slice %arg4[%add3A_1040, %dma_start3A_1050, %dma_start3A_1051] : memref<16384x200x128xf32, #tpu.memory_space<hbm>> -> memref<4x200x64xf32, #tpu.memory_space<hbm>>
      %dma_start3A_1053 = arith.constant 0 : i32
      %dma_start3A_1054 = arith.constant 0 : i32
      %dma_start3A_1055 = arith.constant 0 : i32
      %dma_start3A_1056 = tpu.memref_slice %arg6[%dma_start3A_1041, %dma_start3A_1053, %dma_start3A_1054, %dma_start3A_1055] : memref<2x4x200x64xf32, #tpu.memory_space<vmem>> -> memref<1x4x200x64xf32, #tpu.memory_space<vmem>>
      %dma_start3A_1057 = tpu.memref_squeeze %dma_start3A_1056 : memref<1x4x200x64xf32, #tpu.memory_space<vmem>> -> memref<4x200x64xf32, #tpu.memory_space<vmem>>
      tpu.enqueue_dma source(%dma_start3A_1057 : memref<4x200x64xf32, #tpu.memory_space<vmem>>) target(%dma_start3A_1052 : memref<4x200x64xf32, #tpu.memory_space<hbm>>) target_semaphore(%arg11 : memref<!tpu.dma_semaphore, #tpu.memory_space<semaphore_mem>>)
    }
    %scan3A_23 = arith.constant 64 : i32
    %dma_wait3A = arith.constant 0 : i32
    %dma_wait3A_24 = arith.constant 0 : i32
    %dma_wait3A_25 = arith.constant 0 : i32
    %dma_wait3A_26 = arith.constant 0 : i32
    %dma_wait3A_27 = tpu.memref_slice %arg6[%dma_wait3A, %dma_wait3A_24, %dma_wait3A_25, %dma_wait3A_26] : memref<2x4x200x64xf32, #tpu.memory_space<vmem>> -> memref<1x4x200x64xf32, #tpu.memory_space<vmem>>
    %dma_wait3A_28 = tpu.memref_squeeze %dma_wait3A_27 : memref<1x4x200x64xf32, #tpu.memory_space<vmem>> -> memref<4x200x64xf32, #tpu.memory_space<vmem>>
    %dma_wait3A_29 = arith.constant 0 : i32
    %dma_wait3A_30 = arith.constant 0 : i32
    %dma_wait3A_31 = arith.constant 0 : i32
    %dma_wait3A_32 = tpu.memref_slice %arg4[%dma_wait3A_29, %dma_wait3A_30, %dma_wait3A_31] : memref<16384x200x128xf32, #tpu.memory_space<hbm>> -> memref<4x200x64xf32, #tpu.memory_space<hbm>>
    %dma_wait3A_33 = arith.constant 0 : i32
    %dma_wait3A_34 = arith.constant 0 : i32
    %dma_wait3A_35 = arith.constant 0 : i32
    %dma_wait3A_36 = tpu.memref_slice %arg4[%dma_wait3A_33, %dma_wait3A_34, %dma_wait3A_35] : memref<16384x200x128xf32, #tpu.memory_space<hbm>> -> memref<4x200x64xf32, #tpu.memory_space<hbm>>
    %dma_wait3A_37 = arith.constant 0 : i32
    %dma_wait3A_38 = arith.constant 0 : i32
    %dma_wait3A_39 = arith.constant 0 : i32
    %dma_wait3A_40 = tpu.memref_slice %arg6[%dma_wait3A, %dma_wait3A_37, %dma_wait3A_38, %dma_wait3A_39] : memref<2x4x200x64xf32, #tpu.memory_space<vmem>> -> memref<1x4x200x64xf32, #tpu.memory_space<vmem>>
    %dma_wait3A_41 = tpu.memref_squeeze %dma_wait3A_40 : memref<1x4x200x64xf32, #tpu.memory_space<vmem>> -> memref<4x200x64xf32, #tpu.memory_space<vmem>>
    tpu.wait_dma2 semaphore(%arg10 : memref<!tpu.dma_semaphore, #tpu.memory_space<semaphore_mem>>) src(%dma_wait3A_41 : memref<4x200x64xf32, #tpu.memory_space<vmem>>) dst(%dma_wait3A_36 : memref<4x200x64xf32, #tpu.memory_space<hbm>>)
    %dma_wait3A_42 = arith.constant 1 : i32
    %dma_wait3A_43 = arith.constant 0 : i32
    %dma_wait3A_44 = arith.constant 0 : i32
    %dma_wait3A_45 = arith.constant 0 : i32
    %dma_wait3A_46 = tpu.memref_slice %arg6[%dma_wait3A_42, %dma_wait3A_43, %dma_wait3A_44, %dma_wait3A_45] : memref<2x4x200x64xf32, #tpu.memory_space<vmem>> -> memref<1x4x200x64xf32, #tpu.memory_space<vmem>>
    %dma_wait3A_47 = tpu.memref_squeeze %dma_wait3A_46 : memref<1x4x200x64xf32, #tpu.memory_space<vmem>> -> memref<4x200x64xf32, #tpu.memory_space<vmem>>
    %dma_wait3A_48 = arith.constant 0 : i32
    %dma_wait3A_49 = arith.constant 0 : i32
    %dma_wait3A_50 = arith.constant 0 : i32
    %dma_wait3A_51 = tpu.memref_slice %arg4[%dma_wait3A_48, %dma_wait3A_49, %dma_wait3A_50] : memref<16384x200x128xf32, #tpu.memory_space<hbm>> -> memref<4x200x64xf32, #tpu.memory_space<hbm>>
    %dma_wait3A_52 = arith.constant 0 : i32
    %dma_wait3A_53 = arith.constant 0 : i32
    %dma_wait3A_54 = arith.constant 0 : i32
    %dma_wait3A_55 = tpu.memref_slice %arg4[%dma_wait3A_52, %dma_wait3A_53, %dma_wait3A_54] : memref<16384x200x128xf32, #tpu.memory_space<hbm>> -> memref<4x200x64xf32, #tpu.memory_space<hbm>>
    %dma_wait3A_56 = arith.constant 0 : i32
    %dma_wait3A_57 = arith.constant 0 : i32
    %dma_wait3A_58 = arith.constant 0 : i32
    %dma_wait3A_59 = tpu.memref_slice %arg6[%dma_wait3A_42, %dma_wait3A_56, %dma_wait3A_57, %dma_wait3A_58] : memref<2x4x200x64xf32, #tpu.memory_space<vmem>> -> memref<1x4x200x64xf32, #tpu.memory_space<vmem>>
    %dma_wait3A_60 = tpu.memref_squeeze %dma_wait3A_59 : memref<1x4x200x64xf32, #tpu.memory_space<vmem>> -> memref<4x200x64xf32, #tpu.memory_space<vmem>>
    tpu.wait_dma2 semaphore(%arg11 : memref<!tpu.dma_semaphore, #tpu.memory_space<semaphore_mem>>) src(%dma_wait3A_60 : memref<4x200x64xf32, #tpu.memory_space<vmem>>) dst(%dma_wait3A_55 : memref<4x200x64xf32, #tpu.memory_space<hbm>>)
    return
  }
}

</mosaic_0001>

<sc_bundles>
// kernel: kernel.3.cloned.1.call-start
scs
__scs_entry_jumppad:
0x0: {  	(pc) =	sbr.rel $0x88, $3  }
0x1: {  	(tag) =	ssettag $0x0;
	lr =	simm.s32 $0x1  }
0x2: {  	[smem:$0x3F9F] =	sst lr;
	_ =	strace $0xD0000000  }
0x3: {  	_ = 	snop  }
0x4: {  	_ = 	snop  }
0x5: {  	_ = 	snop  }
0x6: {  	_ = 	snop  }
0x7: {  	_ = 	snop  }
__scs_overlays_trampoline_lowered:
0x8: {  	[smem:$0x3FAE] =	sst s0  }
0x9: {  	[smem:$0x3FAF] =	sst s1  }
0xa: {  	[smem:$0x3FB0] =	sst s2  }
0xb: {  	[smem:$0x3FB1] =	sst s3  }
0xc: {  	[smem:$0x3FB2] =	sst s4  }
0xd: {  	[smem:$0x3FB3] =	sst s5  }
0xe: {  	[smem:$0x3FB4] =	sst s6  }
0xf: {  	[smem:$0x3FB5] =	sst s7  }
0x10: {  	[smem:$0x3FB6] =	sst s8  }
0x11: {  	[smem:$0x3FB7] =	sst s9;
	s0 =	simm.s32 @!p0 $0x0  }
0x12: {  	s1 =	sld [smem:$0x3F9D];
	s0 =	simm.s32 @p0 $0x1  }
0x13: {  	[smem:$0x3FB8] =	sst s0;
	s0 =	simm.s32 @!p1 $0x0  }
0x14: {  	s2 =	sld [smem:$0x3F9C];
	s0 =	simm.s32 @p1 $0x1  }
0x15: {  	[smem:$0x3FB9] =	sst s0;
	s0 =	simm.s32 @!p2 $0x0  }
0x16: {  	s3 =	sld [smem:$0x3FDB];
	s0 =	simm.s32 @p2 $0x1  }
0x17: {  	s4 =	simm.s32 $0x1BF5;
	[smem:$0x3FBB] =	sst s0  }
0x18: {  	s0 =	sld [smem:$0x3F9E];
	_ =	swait.ge [sflag:s4], $0x0  }
0x19: {  	s7 =	sld [smem:$0x3F9F]  }
0x1a: {  	s8 =	sadd.s32 $0xFFFFE003, lr  }
0x1b: {  	s9 =	sadd.s32 $0xFFFFFEF7, lr;
	s5 =	simm.s32 $0xFFFFFFFF;
	p2 =	slt.u32 s8, $0xFFFFF086  }
0x1c: {  	p1 =	slt.u32 s9, $0xF7A;
	s5 =	simm.s32 @!p2 $0x0  }
0x1d: {  	s5 =	simm.s32 @p1 $0x1;
	p0 =	seq.s32 s7, s2  }
0x1e: {  	s7 =	smul.u32 @!p0 $0xF7A, s2;
	p2 =	seq.s32 @!p0 s5, $0x0  }
0x1f: {  	s9 =	smul.u32 $0xF7A, s1;
	s8 =	simm.s32 @!p0 $0x1BF5;
	p2 =	por !p2, p0  }
0x20: {  	[sflag:s8] =	ssyncset.s32 @!p0 $0xFFFFF086;
	s6 =	sadd.s32 @!p0 s3, s7;
	s7 =	simm.s32 @!p0 $0x108  }
0x21: {  	s3 =	sadd.s32 s3, s9;
	s6 =	sadd.s32 @!p0 $0x88, s6;
	s7 =	simm.s32 @p2 $0x1082  }
0x22: {  	[simem:s7], [sflag:s8] =	dma.local @!p0 [hbm:s6], $0xF7A  }
0x23: {  	s9 =	sor.u32 $0xD0000000, s2;
	s6 =	simm.s32 $0x108;
	_ =	swait.ge @!p0 [sflag:s8], $0x0  }
0x24: {  	s3 =	sadd.s32 $0x88, s3;
	s6 =	simm.s32 @!p1 $0x1082;
	[sflag:s4] =	ssyncset.s32 $0xFFFFF086  }
0x25: {  	[simem:s6], [sflag:s4] =	dma.local [hbm:s3], $0xF7A  }
0x26: {  	[smem:$0x3F9F] =	sst s1;
	(tag) =	ssettag s2;
	_ =	strace s9  }
0x27: {  	s1 =	sld [smem:$0x3FAF]  }
0x28: {  	s2 =	sld [smem:$0x3FB0]  }
0x29: {  	s4 =	sld [smem:$0x3FB2]  }
0x2a: {  	p0 =	seq.s32 s5, $0x0;
	s5 =	sld [smem:$0x3FB3]  }
0x2b: {  	s6 =	sld [smem:$0x3FB4]  }
0x2c: {  	s7 =	sld [smem:$0x3FB5]  }
0x2d: {  	s3 =	simm.s32 $0x108;
	s8 =	sld [smem:$0x3FB6]  }
0x2e: {  	s3 =	simm.s32 @!p0 $0x1082;
	s9 =	sld [smem:$0x3FB7]  }
0x2f: {  	lr =	sadd.s32 s0, s3;
	s0 =	sld [smem:$0x3FAE]  }
0x30: {  	s3 =	sld [smem:$0x3FB1]  }
0x31: {  	[smem:$0x3FBA] =	sst s10  }
0x32: {  	s10 =	sld [smem:$0x3FB8];
	_ =	sdelay $0x3  }
0x33: {  	p0 =	seq.s32 s10, $0x1;
	s10 =	sld [smem:$0x3FBA];
	_ =	sdelay $0x3  }
0x34: {  	[smem:$0x3FBA] =	sst s10  }
0x35: {  	s10 =	sld [smem:$0x3FB9];
	_ =	sdelay $0x3  }
0x36: {  	p1 =	seq.s32 s10, $0x1;
	s10 =	sld [smem:$0x3FBA];
	_ =	sdelay $0x3  }
0x37: {  	[smem:$0x3FBA] =	sst s10  }
0x38: {  	s10 =	sld [smem:$0x3FBB]  }
0x39: {  	_ = 	snop;
	(pc) =	sbr.ind lr, $3  }
0x3a: {  	_ = 	snop  }
0x3b: {  	_ = 	snop  }
0x3c: {  	p2 =	seq.s32 s10, $0x1;
	s10 =	sld [smem:$0x3FBA]  }
0x3d: {  	_ =	shalt  }
0x3e: {  	_ =	shalt  }
0x3f: {  	_ =	shalt  }
0x40: {  	_ =	shalt  }
0x41: {  	_ =	shalt  }
0x42: {  	_ =	shalt  }
0x43: {  	_ =	shalt  }
0x44: {  	_ =	shalt  }
0x45: {  	_ =	shalt  }
0x46: {  	_ =	shalt  }
0x47: {  	_ =	shalt  }
0x48: {  	_ =	shalt  }
0x49: {  	_ =	shalt  }
0x4a: {  	_ =	shalt  }
0x4b: {  	_ =	shalt  }
0x4c: {  	_ =	shalt  }
0x4d: {  	_ =	shalt  }
0x4e: {  	_ =	shalt  }
0x4f: {  	_ =	shalt  }
0x50: {  	_ =	shalt  }
0x51: {  	_ =	shalt  }
0x52: {  	_ =	shalt  }
0x53: {  	_ =	shalt  }
0x54: {  	_ =	shalt  }
0x55: {  	_ =	shalt  }
0x56: {  	_ =	shalt  }
0x57: {  	_ =	shalt  }
0x58: {  	_ =	shalt  }
0x59: {  	_ =	shalt  }
0x5a: {  	_ =	shalt  }
0x5b: {  	_ =	shalt  }
0x5c: {  	_ =	shalt  }
0x5d: {  	_ =	shalt  }
0x5e: {  	_ =	shalt  }
0x5f: {  	_ =	shalt  }
0x60: {  	_ =	shalt  }
0x61: {  	_ =	shalt  }
0x62: {  	_ =	shalt  }
0x63: {  	_ =	shalt  }
0x64: {  	_ =	shalt  }
0x65: {  	_ =	shalt  }
0x66: {  	_ =	shalt  }
0x67: {  	_ =	shalt  }
0x68: {  	_ =	shalt  }
0x69: {  	_ =	shalt  }
0x6a: {  	_ =	shalt  }
0x6b: {  	_ =	shalt  }
0x6c: {  	_ =	shalt  }
0x6d: {  	_ =	shalt  }
0x6e: {  	_ =	shalt  }
0x6f: {  	_ =	shalt  }
0x70: {  	_ =	shalt  }
0x71: {  	_ =	shalt  }
0x72: {  	_ =	shalt  }
0x73: {  	_ =	shalt  }
0x74: {  	_ =	shalt  }
0x75: {  	_ =	shalt  }
0x76: {  	_ =	shalt  }
0x77: {  	_ =	shalt  }
0x78: {  	_ =	shalt  }
0x79: {  	_ =	shalt  }
0x7a: {  	_ =	shalt  }
0x7b: {  	_ =	shalt  }
0x7c: {  	_ =	shalt  }
0x7d: {  	_ =	shalt  }
0x7e: {  	_ =	shalt  }
0x7f: {  	_ =	shalt  }
0x80: {  	_ =	shalt  }
0x81: {  	_ =	shalt  }
0x82: {  	_ =	shalt  }
0x83: {  	_ =	shalt  }
0x84: {  	_ =	shalt  }
0x85: {  	_ =	shalt  }
0x86: {  	_ =	shalt  }
0x87: {  	_ =	shalt  }
.Lfunc_end0:
.L_simem_size_0:
called_computation.1_lowered:
.L_overlay_start_0:
0x88: {  	s2 =	sld [smem:$0x3FD9]  }
0x89: {  	s3 =	sld [smem:$0x3FFE];
	_ =	sdelay $0x1  }
0x8a: {  	s1 =	srdreg.scid  }
0x8b: {  	s0 =	sand.u32 $0x1, s1  }
0x8c: {  	s16 =	sshll.u32 s0, $0xA;
	s2 =	sadd.s32 s3, s2  }
0x8d: {  	s2 =	sadd.s32 s2, s16  }
0x8e: {  	[smem:$0x3FC6] =	sst s2  }
0x8f: {  	_ = 	snop  }
0x90: {  	(tm) =	ssettm $0x1  }
0x91: {  	s17 =	sld [smem:$0x3FFB];
	_ =	sdelay $0x3  }
0x92: {  	_ =	strace s17  }
0x93: {  	s2 =	sld [smem:$0x3FFC];
	_ =	sdelay $0x3  }
0x94: {  	_ =	strace s2  }
0x95: {  	s2 =	sld [smem:$0x3FFD];
	_ =	sdelay $0x3  }
0x96: {  	_ =	strace s2  }
0x97: {  	_ =	strace $0x8FFFFFFF  }
0x98: {  	s18 =	sld [smem:$0x3FDB];
	_ =	sdelay $0x1  }
0x99: {  	s19 =	simm.s32 $_scs_section_size  }
0x9a: {  	s4 =	simm.s32 $_size__tile_overlayer_lowered;
	s5 =	simm.s32 $_tile_overlayer_lowered  }
0x9b: {  	s22 =	simm.s32 $0x1BFF;
	s21 =	sshll.u32 s5, $0x1;
	s2 =	sadd.s32 s19, s18  }
0x9c: {  	s6 =	simm.s32 $0x0;
	s20 =	sshll.u32 s4, $0x1;
	s4 =	sadd.s32 s21, s2  }
0x9d: {  	[timem:s6], [sflag:s22] =	dma.local [hbm:s4], s20  }
0x9e: {  	_ =	swait.ge [sflag:s22], s20  }
0x9f: {  	s3 =	ssub.s32 $0x0, s20;
	[sflag:s22] =	ssyncset.done $0x0  }
0xa0: {  	[sflag:s22] =	ssyncadd.s32 s3;
	_ =	sdelay $0x1  }
0xa1: {  	s23 =	simm.s32 $0x1B8B  }
0xa2: {  	_ =	swait.ge [sflag:s23], $0x1  }
0xa3: {  	[sflag:s23] =	ssyncset.done $0x0  }
0xa4: {  	s25 =	simm.s32 $0x1B8E;
	s24 =	sld [smem:$0x3FFE];
	[sflag:s23] =	ssyncadd.s32 $0xFFFFFFFF  }
0xa5: {  	s26 =	simm.s32 $execute0_lowered;
	[smem:$0x3FD2] =	sst s25  }
0xa6: {  	s4 =	sshll.u32 s26, $0x1;
	_ =	strace $0x80000046;
	[dreg:$0x1] =	wrdreg $0xFFFFFFFF  }
0xa7: {  	s28 =	simm.s32 $_size_execute0_lowered;
	s2 =	sadd.s32 s2, s4;
	[dreg:$0x0] =	wrdreg $0x0  }
0xa8: {  	s4 =	sshll.u32 s28, $0x1;
	[dreg:$0x2] =	wrdreg s2  }
0xa9: {  	[dreg:$0x3] =	wrdreg s4  }
0xaa: {  	[dreg:$0x4] =	wrdreg $0xC0  }
0xab: {  	_ =	task [dreg:s6], $0x5FFFF  }
0xac: {  	[dreg:$0x1] =	wrdreg $0xFFFFFFFF  }
0xad: {  	[dreg:$0x0] =	wrdreg $0x60  }
0xae: {  	[dreg:$0x2] =	wrdreg s24  }
0xaf: {  	[dreg:$0x3] =	wrdreg $0x198000  }
0xb0: {  	[dreg:$0x4] =	wrdreg $0x9  }
0xb1: {  	_ =	task.clear_ibuf [dreg:s6], $0x5FFFF;
	_ =	strace $0x90000046  }
0xb2: {  	s29 =	simm.s32 $0x9;
	_ =	strace $0x80000048  }
0xb3: {  	_ =	swait.ge [sflag:s29], $0x1  }
0xb4: {  	[sflag:s29] =	ssyncadd.s32 $0xFFFFFFFF  }
0xb5: {  	_ =	strace $0x90000048  }
0xb6: {  	_ =	sfence  }
0xb7: {  	s30 =	sld [smem:$0x0];
	_ =	sdelay $0x2  }
0xb8: {  	s31 =	sshll.u32 s1, $0xD;
	s1 =	sshrl.u32 s1, $0x2  }
0xb9: {  	s3 =	sand.u32 $0x4000, s31;
	s1 =	sadd.s32 s1, s30  }
0xba: {  	s0 =	sor.u32 s3, s0;
	s1 =	sshll.u32 s1, $0x11  }
0xbb: {  	s0 =	sor.u32 s1, s0  }
0xbc: {  	s0 =	sadd.s32 $0x8F2B, s0  }
0xbd: {  	[sflag:s0] =	ssyncadd.remote.s32 $0x1  }
0xbe: {  	_ =	sfence.sel $0xFFFF  }
0xbf: {  	[dreg:$0x0] =	wrdreg $0xFFFFFFFF;
	(pc) =	sbr.abs _section_cstart, $3  }
0xc0: {  	[dreg:$0x1] =	wrdreg $0xFFFFFFFF  }
0xc1: {  	_ =	task.clear_ibuf [dreg:s6], $0x2FFFF;
	_ =	strace $0x9FFFFFFF  }
0xc2: {  	(tm) =	ssettm $0x7FFFFFFF  }
0xc3: {  	_ =	shalt  }
tec
execute0_lowered:
.L_overlay_start_1:
0x0: {  	(tag) =	ssettag $0x1  }
0x1: {  	s0 =	rddreg [dreg:$0x0]  }
0x2: {  	s1 =	rddreg [dreg:$0x1];
	s2 =	simm.s32 $0x0  }
0x3: {  	s4 =	stileid.u32;
	s5 =	srdreg.scid;
	s12 =	simm.s32 $0x800  }
0x4: {  	s13 =	simm.s32 $0x80;
	s28 =	simm.s32 $0x2;
	s29 =	simm.s32 $0x40  }
0x5: {  	s30 =	simm.s32 $0xD000;
	s31 =	simm.s32 $0x480;
	s14 =	simm.s32 $0x13400  }
0x6: {  	s15 =	simm.s32 $0x680;
	s16 =	simm.s32 $0x14D00;
	s17 =	simm.s32 $0x700  }
0x7: {  	s18 =	simm.s32 $0x16600;
	s19 =	simm.s32 $0x780;
	s20 =	simm.s32 $0x17F00  }
0x8: {  	s21 =	simm.s32 $0x4;
	s23 =	simm.s32 $0x0;
	[smem:$0x7FF] =	sst s2  }
0x9: {  	s3 =	sadd.s32 $0xE00, s0;
	s6 =	sadd.s32 $0x800, s0;
	s24 =	smul.u32 $0x320000, s4  }
0xa: {  	s5 =	sand.u32 $0x1, s5;
	s8 =	sshll.u32 s4, $0xF;
	p0 =	sne.s32 s4, $0x0  }
0xb: {  	s4 =	simm.s32 $0x10200;
	_ =	strace $0x80000047;
	[dreg:$0x3] =	wrdreg s6  }
0xc: {  	s7 =	ssub.s32 $0x2, s5;
	s9 =	sshll.u32 s5, $0xE;
	s5 =	smul.u32 $0x190000, s5  }
0xd: {  	s10 =	sshrl.u32 s7, $0x1;
	s11 =	sor.u32 s9, s8;
	s0 =	sadd.s32 s24, s0  }
0xe: {  	s25 =	ssub.s32 s7, s10;
	s26 =	sadd.s32 s3, s11;
	s3 =	sadd.s32 s8, s3  }
0xf: {  	s0 =	sadd.s32 s5, s0;
	s10 =	simm.s32 $0x400;
	s11 =	simm.s32 $0x64  }
0x10: {  	s5 =	simm.s32 $0x580;
	s7 =	simm.s32 $0x11B00;
	s8 =	simm.s32 $0x600  }
0x11: {  	[dreg:$0x4] =	wrdreg s26;
	s6 =	smax.u32 s25, $0x1;
	s0 =	sadd.s32 $0x80E00, s0  }
0x12: {  	s26 =	simm.s32 $0xB700;
	[dreg:$0x5] =	wrdreg s6;
	s6 =	sadd.s32 s9, s3  }
0x13: {  	[dreg:$0x6] =	wrdreg s0;
	s0 =	sshrl.u32 @!p0 s1, $0x3;
	s9 =	simm.s32 $0x1  }
0x14: {  	s3 =	simm.s32 $0x500;
	[dreg:$0x7] =	wrdreg s0;
	s0 =	simm.s32 $0xE900  }
.LBB2_1:
0x15: {  	[dreg:$0x8] =	wrdreg s23  }
0x16: {  	s23 =	rddreg [dreg:$0x3]  }
0x17: {  	s22 =	simm.s32 @!p0 $0x1C05;
	s24 =	rddreg [dreg:$0x7]  }
0x18: {  	[spmem:s24], [sflag:s22] =	dma.local @!p0 [hbm:s23], $0x500  }
0x19: {  	s22 =	simm.s32 @!p0 $0x5  }
0x1a: {  	_ =	swait.ge @!p0 [sflag:s22], $0x500  }
0x1b: {  	[sflag:s22] =	ssyncset.done @!p0 $0x0  }
0x1c: {  	[sflag:s22] =	ssyncadd.s32 @!p0 $0xFFFFFB00  }
0x1d: {  	[bflag:$0x0] =	sbarrier.arrive $0xFFFF  }
0x1e: {  	s25 =	rddreg [dreg:$0x4]  }
0x1f: {  	s23 =	simm.s32 $0x0;
	s22 =	rddreg [dreg:$0x6]  }
0x20: {  	[tilespmem:s2], [sflag:$0x1] =	stream.linear.gather [hbm4b:s25+s2], $0x400, $0x38;
	[tilespmem:$0x19A80] =	vst v63  }
.LBB2_2:
0x21: {  	_ =	swait.ge [sflag:s9], $0x400  }
0x22: {  	s24 =	sadd.s32 s23, s6;
	[sflag:s9] =	ssyncset.done $0x0  }
0x23: {  	p1 =	seq.s32 s23, $0x0;
	s24 =	sadd.s32 $0x80, s24;
	[sflag:s9] =	ssyncadd.s32 $0xFFFFFC00  }
0x24: {  	[tilespmem:s10], [sflag:$0x1] =	stream.linear.gather [hbm4b:s24+s2], $0x400, $0x38;
	[tilespmem:$0x19A80] =	vst v63  }
0x25: {  	s24 =	simm.s32 @!p1 $0x3  }
0x26: {  	_ =	swait.ge @!p1 [sflag:s24], $0xC800  }
0x27: {  	[sflag:s24] =	ssyncset.done @!p1 $0x0  }
0x28: {  	[sflag:s24] =	ssyncadd.s32 @!p1 $0xFFFF3800  }
0x29: {  	[tilespmem:s12], [sflag:$0x2] =	stream.indirect.gather [spmem:s1], $0x40, s2, s11, $0xb8;
	[tilespmem:$0x19A80] =	vst v63  }
0x2a: {  	s25 =	simm.s32 $0x2100  }
0x2b: {  	[tilespmem:s25], [sflag:$0x2] =	stream.indirect.gather [spmem:s1], $0x40, s13, s11, $0xb8;
	[tilespmem:$0x19A80] =	vst v63  }
0x2c: {  	s24 =	simm.s32 $0x100;
	s25 =	simm.s32 $0x3A00  }
0x2d: {  	[tilespmem:s25], [sflag:$0x2] =	stream.indirect.gather [spmem:s1], $0x40, s24, s11, $0xb8;
	[tilespmem:$0x19A80] =	vst v63  }
0x2e: {  	s24 =	simm.s32 $0x180;
	s25 =	simm.s32 $0x5300  }
0x2f: {  	[tilespmem:s25], [sflag:$0x2] =	stream.indirect.gather [spmem:s1], $0x40, s24, s11, $0xb8;
	[tilespmem:$0x19A80] =	vst v63  }
0x30: {  	s24 =	simm.s32 $0x200;
	s25 =	simm.s32 $0x6C00  }
0x31: {  	[tilespmem:s25], [sflag:$0x2] =	stream.indirect.gather [spmem:s1], $0x40, s24, s11, $0xb8;
	[tilespmem:$0x19A80] =	vst v63  }
0x32: {  	s24 =	simm.s32 $0x280;
	s25 =	simm.s32 $0x8500  }
0x33: {  	[tilespmem:s25], [sflag:$0x2] =	stream.indirect.gather [spmem:s1], $0x40, s24, s11, $0xb8;
	[tilespmem:$0x19A80] =	vst v63  }
0x34: {  	s24 =	simm.s32 $0x300;
	s25 =	simm.s32 $0x9E00  }
0x35: {  	[tilespmem:s25], [sflag:$0x2] =	stream.indirect.gather [spmem:s1], $0x40, s24, s11, $0xb8;
	[tilespmem:$0x19A80] =	vst v63  }
0x36: {  	s25 =	simm.s32 $0x380  }
0x37: {  	[tilespmem:s26], [sflag:$0x2] =	stream.indirect.gather [spmem:s1], $0x40, s25, s11, $0xb8;
	[tilespmem:$0x19A80] =	vst v63  }
0x38: {  	_ =	swait.ge [sflag:s28], $0x1900  }
0x39: {  	[sflag:s28] =	ssyncset.done $0x0  }
0x3a: {  	[sflag:s28] =	ssyncadd.s32 $0xFFFFE700  }
0x3b: {  	_ =	swait.ge [sflag:s28], $0x1900  }
0x3c: {  	[sflag:s28] =	ssyncset.done $0x0  }
0x3d: {  	[sflag:s28] =	ssyncadd.s32 $0xFFFFE700  }
0x3e: {  	_ =	swait.ge [sflag:s28], $0x1900  }
0x3f: {  	[sflag:s28] =	ssyncset.done $0x0  }
0x40: {  	[sflag:s28] =	ssyncadd.s32 $0xFFFFE700  }
0x41: {  	_ =	swait.ge [sflag:s28], $0x1900  }
0x42: {  	[sflag:s28] =	ssyncset.done $0x0  }
0x43: {  	[sflag:s28] =	ssyncadd.s32 $0xFFFFE700  }
0x44: {  	_ =	swait.ge [sflag:s28], $0x1900  }
0x45: {  	[sflag:s28] =	ssyncset.done $0x0  }
0x46: {  	[sflag:s28] =	ssyncadd.s32 $0xFFFFE700  }
0x47: {  	_ =	swait.ge [sflag:s28], $0x1900  }
0x48: {  	[sflag:s28] =	ssyncset.done $0x0  }
0x49: {  	[sflag:s28] =	ssyncadd.s32 $0xFFFFE700  }
0x4a: {  	_ =	swait.ge [sflag:s28], $0x1900  }
0x4b: {  	[sflag:s28] =	ssyncset.done $0x0  }
0x4c: {  	[sflag:s28] =	ssyncadd.s32 $0xFFFFE700  }
0x4d: {  	_ =	swait.ge [sflag:s28], $0x1900  }
0x4e: {  	[sflag:s28] =	ssyncset.done $0x0  }
0x4f: {  	[sflag:s28] =	ssyncadd.s32 $0xFFFFE700  }
0x50: {  	[hbm4b:s22+s29] =	stream.strided.scatter [tilespmem:s12], [sflag:$0x3], $0xC800, s13, s29, $0x38;
	[tilespmem:$0x19A80] =	vst v63  }
0x51: {  	p1 =	seq.s32 s23, $0x3F00;
	_ =	swait.ge [sflag:s9], $0x400  }
0x52: {  	p2 =	seq.s32 @!p1 s23, $0x0;
	s24 =	sadd.s32 @!p1 s23, s6;
	[sflag:s9] =	ssyncset.done $0x0  }
0x53: {  	s24 =	sadd.s32 @!p1 $0x100, s24;
	s25 =	simm.s32 @!p1 $0x0;
	[sflag:s9] =	ssyncadd.s32 $0xFFFFFC00  }
0x54: {  	[tilespmem:s25], [sflag:$0x1] =	stream.linear.gather @!p1 [hbm4b:s24+s25], $0x400, $0x38;
	[tilespmem:$0x19A80] =	vst v63  }
0x55: {  	p1 =	por p1, !p2  }
0x56: {  	_ =	swait.ge @p1 [sflag:s21], $0xC800  }
0x57: {  	[sflag:s21] =	ssyncset.done @p1 $0x0  }
0x58: {  	[sflag:s21] =	ssyncadd.s32 @p1 $0xFFFF3800  }
0x59: {  	[tilespmem:s30], [sflag:$0x2] =	stream.indirect.gather [spmem:s1], $0x40, s10, s11, $0xb8;
	[tilespmem:$0x19A80] =	vst v63  }
0x5a: {  	_ = 	snop  }
0x5b: {  	[tilespmem:s0], [sflag:$0x2] =	stream.indirect.gather [spmem:s1], $0x40, s31, s11, $0xb8;
	[tilespmem:$0x19A80] =	vst v63  }
0x5c: {  	_ = 	snop  }
0x5d: {  	[tilespmem:s4], [sflag:$0x2] =	stream.indirect.gather [spmem:s1], $0x40, s3, s11, $0xb8;
	[tilespmem:$0x19A80] =	vst v63  }
0x5e: {  	_ = 	snop  }
0x5f: {  	[tilespmem:s7], [sflag:$0x2] =	stream.indirect.gather [spmem:s1], $0x40, s5, s11, $0xb8;
	[tilespmem:$0x19A80] =	vst v63  }
0x60: {  	_ = 	snop  }
0x61: {  	[tilespmem:s14], [sflag:$0x2] =	stream.indirect.gather [spmem:s1], $0x40, s8, s11, $0xb8;
	[tilespmem:$0x19A80] =	vst v63  }
0x62: {  	_ = 	snop  }
0x63: {  	[tilespmem:s16], [sflag:$0x2] =	stream.indirect.gather [spmem:s1], $0x40, s15, s11, $0xb8;
	[tilespmem:$0x19A80] =	vst v63  }
0x64: {  	_ = 	snop  }
0x65: {  	[tilespmem:s18], [sflag:$0x2] =	stream.indirect.gather [spmem:s1], $0x40, s17, s11, $0xb8;
	[tilespmem:$0x19A80] =	vst v63  }
0x66: {  	_ = 	snop  }
0x67: {  	[tilespmem:s20], [sflag:$0x2] =	stream.indirect.gather [spmem:s1], $0x40, s19, s11, $0xb8;
	[tilespmem:$0x19A80] =	vst v63  }
0x68: {  	_ =	swait.ge [sflag:s28], $0x1900  }
0x69: {  	[sflag:s28] =	ssyncset.done $0x0  }
0x6a: {  	[sflag:s28] =	ssyncadd.s32 $0xFFFFE700  }
0x6b: {  	_ =	swait.ge [sflag:s28], $0x1900  }
0x6c: {  	[sflag:s28] =	ssyncset.done $0x0  }
0x6d: {  	[sflag:s28] =	ssyncadd.s32 $0xFFFFE700  }
0x6e: {  	_ =	swait.ge [sflag:s28], $0x1900  }
0x6f: {  	[sflag:s28] =	ssyncset.done $0x0  }
0x70: {  	[sflag:s28] =	ssyncadd.s32 $0xFFFFE700  }
0x71: {  	_ =	swait.ge [sflag:s28], $0x1900  }
0x72: {  	[sflag:s28] =	ssyncset.done $0x0  }
0x73: {  	[sflag:s28] =	ssyncadd.s32 $0xFFFFE700  }
0x74: {  	_ =	swait.ge [sflag:s28], $0x1900  }
0x75: {  	[sflag:s28] =	ssyncset.done $0x0  }
0x76: {  	[sflag:s28] =	ssyncadd.s32 $0xFFFFE700  }
0x77: {  	_ =	swait.ge [sflag:s28], $0x1900  }
0x78: {  	[sflag:s28] =	ssyncset.done $0x0  }
0x79: {  	[sflag:s28] =	ssyncadd.s32 $0xFFFFE700  }
0x7a: {  	s23 =	sadd.s32 $0x100, s23;
	_ =	swait.ge [sflag:s28], $0x1900  }
0x7b: {  	p1 =	sne.s32 s23, $0x4000;
	[sflag:s28] =	ssyncset.done $0x0  }
.Ltmp0:
0x7c: {  	[sflag:s28] =	ssyncadd.s32 $0xFFFFE700;
	(pc) =	sbr.rel @p1 .LBB2_2-.Ltmp0, $4  }
0x7d: {  	_ =	swait.ge [sflag:s28], $0x1900  }
0x7e: {  	[sflag:s28] =	ssyncset.done $0x0  }
0x7f: {  	s25 =	sadd.s32 $0x3200, s22;
	s22 =	sadd.s32 $0x6400, s22;
	[sflag:s28] =	ssyncadd.s32 $0xFFFFE700  }
0x80: {  	[hbm4b:s25+s29] =	stream.strided.scatter [tilespmem:s30], [sflag:$0x4], $0xC800, s13, s29, $0x38;
	[tilespmem:$0x19A80] =	vst v63  }
0x81: {  	s22 =	simm.s32 $0x3  }
0x82: {  	_ =	swait.ge [sflag:s22], $0xC800  }
0x83: {  	[sflag:s22] =	ssyncset.done $0x0  }
0x84: {  	[sflag:s22] =	ssyncadd.s32 $0xFFFF3800  }
0x85: {  	_ =	swait.ge [sflag:s21], $0xC800  }
0x86: {  	s23 =	rddreg [dreg:$0x8]  }
0x87: {  	s25 =	rddreg [dreg:$0x5];
	s23 =	sadd.s32 $0x1, s23  }
0x88: {  	p1 =	sne.s32 s23, s25  }
.Ltmp1:
0x89: {  	_ = 	snop;
	(pc) =	sbr.rel @p1 .LBB2_1-.Ltmp1, $3  }
0x8a: {  	_ =	sdelay $0x1  }
0x8b: {  	[sflag:s21] =	ssyncset.done $0x0  }
0x8c: {  	[sflag:s21] =	ssyncadd.s32 $0xFFFF3800  }
0x8d: {  	_ =	sfence.sel $0x180000  }
0x8e: {  	[bflag:$0x0] =	sbarrier.arrive $0xFFFF  }
0x8f: {  	_ =	strace $0x90000047  }
0x90: {  	[bflag:$0x2] =	sbarrier.arrive $0xFFFF  }
0x91: {  	s0 =	rddreg [dreg:$0x2]  }
0x92: {  	s0 =	sadd.s32 @!p0 $0x100000, s0  }
0x93: {  	[sflag:s0] =	ssyncadd.tile.s32 @!p0 $0x1;
	_ =	shalt  }
.Lfunc_end2:
_tile_overlayer_lowered:
.L_overlay_start_2:
0x94: {  	(tag) =	ssettag $0x2  }
0x95: {  	s0 =	rddreg [dreg:$0x0];
	s2 =	stileid.u32  }
0x96: {  	s1 =	rddreg [dreg:$0x1];
	p0 =	sne.s32 s2, $0x0  }
0x97: {  	s3 =	rddreg [dreg:$0x2];
	[bflag:$0x3] =	sbarrier.arrive $0xFFFF;
	s2 =	simm.s32 @!p0 $0x1C05  }
0x98: {  	[timem:s3], [sflag:s2] =	dma.local @!p0 [hbm:s0], s1  }
0x99: {  	s0 =	simm.s32 @!p0 $0x5  }
0x9a: {  	_ =	swait.ge @!p0 [sflag:s0], s1  }
0x9b: {  	s1 =	ssub.s32 @!p0 $0x0, s1;
	[sflag:s0] =	ssyncset.done @!p0 $0x0  }
0x9c: {  	[sflag:s0] =	ssyncadd.s32 @!p0 s1  }
0x9d: {  	[bflag:$0x3] =	sbarrier.arrive $0xFFFF  }
0x9e: {  	_ =	shalt  }

// kernel: sparse-core-data-format-call.cloned.1.call-start
scs
called_computation_lowered:
.L_overlay_start_0:
0x0: {  	s2 =	sld [smem:$0x3FD9]  }
0x1: {  	s3 =	sld [smem:$0x3FFE];
	_ =	sdelay $0x1  }
0x2: {  	s1 =	srdreg.scid  }
0x3: {  	s0 =	sand.u32 $0x1, s1  }
0x4: {  	s18 =	sshll.u32 s0, $0xA;
	s2 =	sadd.s32 s3, s2  }
0x5: {  	s2 =	sadd.s32 s2, s18  }
0x6: {  	[smem:$0x3FC6] =	sst s2  }
0x7: {  	_ = 	snop  }
0x8: {  	s2 =	sld [smem:$0x3FD0];
	(tm) =	ssettm $0x1  }
0x9: {  	s19 =	sld [smem:$0x3FFB];
	_ =	sdelay $0x3  }
0xa: {  	_ =	strace s19  }
0xb: {  	s3 =	sld [smem:$0x3FFC];
	_ =	sdelay $0x3  }
0xc: {  	_ =	strace s3  }
0xd: {  	s3 =	sld [smem:$0x3FFD];
	_ =	sdelay $0x3  }
0xe: {  	_ =	strace s3  }
0xf: {  	_ =	strace $0x8FFFFFFF  }
0x10: {  	s20 =	sld [smem:$0x3FDB];
	_ =	sdelay $0x1  }
0x11: {  	s4 =	simm.s32 $_scs_section_size  }
0x12: {  	s5 =	simm.s32 $_size__tile_overlayer_lowered;
	s6 =	simm.s32 $_tile_overlayer_lowered  }
0x13: {  	s23 =	simm.s32 $0x1BFF;
	s22 =	sshll.u32 s6, $0x1;
	s3 =	sadd.s32 s4, s20  }
0x14: {  	s7 =	simm.s32 $0x0;
	s21 =	sshll.u32 s5, $0x1;
	s5 =	sadd.s32 s22, s3  }
0x15: {  	[timem:s7], [sflag:s23] =	dma.local [hbm:s5], s21  }
0x16: {  	_ =	swait.ge [sflag:s23], s21  }
0x17: {  	s4 =	ssub.s32 $0x0, s21;
	[sflag:s23] =	ssyncset.done $0x0  }
0x18: {  	[sflag:s23] =	ssyncadd.s32 s4;
	_ =	sdelay $0x1  }
0x19: {  	s24 =	simm.s32 $0x1B8B  }
0x1a: {  	_ =	swait.ge [sflag:s24], $0x1  }
0x1b: {  	[sflag:s24] =	ssyncset.done $0x0  }
0x1c: {  	s26 =	simm.s32 $0x1B8E;
	s25 =	sld [smem:$0x3FFE];
	[sflag:s24] =	ssyncadd.s32 $0xFFFFFFFF  }
0x1d: {  	s27 =	simm.s32 $execute0_lowered;
	[smem:$0x3FD2] =	sst s26  }
0x1e: {  	s5 =	sshll.u32 s27, $0x1;
	_ =	strace $0x80000049;
	[dreg:$0x1] =	wrdreg $0xFFFFFFFF  }
0x1f: {  	s28 =	simm.s32 $_size_execute0_lowered;
	s3 =	sadd.s32 s3, s5;
	[dreg:$0x0] =	wrdreg $0x0  }
0x20: {  	s5 =	sshll.u32 s28, $0x1;
	[dreg:$0x2] =	wrdreg s3  }
0x21: {  	[dreg:$0x3] =	wrdreg s5  }
0x22: {  	[dreg:$0x4] =	wrdreg $0xC0  }
0x23: {  	_ =	task [dreg:s7], $0x5FFFF  }
0x24: {  	[dreg:$0x1] =	wrdreg $0xFFFFFFFF  }
0x25: {  	[dreg:$0x0] =	wrdreg $0x60  }
0x26: {  	[dreg:$0x2] =	wrdreg s25  }
0x27: {  	[dreg:$0x3] =	wrdreg s2  }
0x28: {  	[dreg:$0x4] =	wrdreg $0x9  }
0x29: {  	_ =	task.clear_ibuf [dreg:s7], $0x5FFFF;
	_ =	strace $0x90000049  }
0x2a: {  	s29 =	simm.s32 $0x9;
	_ =	strace $0x8000004B  }
0x2b: {  	_ =	swait.ge [sflag:s29], $0x1  }
0x2c: {  	[sflag:s29] =	ssyncadd.s32 $0xFFFFFFFF  }
0x2d: {  	_ =	strace $0x9000004B  }
0x2e: {  	_ =	sfence  }
0x2f: {  	s30 =	sld [smem:$0x0];
	_ =	sdelay $0x2  }
0x30: {  	s31 =	sshll.u32 s1, $0xD;
	s1 =	sshrl.u32 s1, $0x2  }
0x31: {  	s3 =	sand.u32 $0x4000, s31;
	s1 =	sadd.s32 s1, s30  }
0x32: {  	s0 =	sor.u32 s3, s0;
	s1 =	sshll.u32 s1, $0x11  }
0x33: {  	s0 =	sor.u32 s1, s0  }
0x34: {  	s0 =	sadd.s32 $0x8F2B, s0  }
0x35: {  	[sflag:s0] =	ssyncadd.remote.s32 $0x1  }
0x36: {  	_ =	sfence.sel $0xFFFF  }
0x37: {  	[dreg:$0x0] =	wrdreg $0xFFFFFFFF;
	(pc) =	sbr.abs _section_cstart, $3  }
0x38: {  	[dreg:$0x1] =	wrdreg $0xFFFFFFFF  }
0x39: {  	_ =	task.clear_ibuf [dreg:s7], $0x2FFFF;
	_ =	strace $0x9FFFFFFF  }
0x3a: {  	(tm) =	ssettm $0x7FFFFFFF  }
0x3b: {  	_ =	shalt  }
tec
execute0_lowered:
.L_overlay_start_1:
0x0: {  	(tag) =	ssettag $0x1  }
0x1: {  	s0 =	srdreg.scid  }
0x2: {  	s1 =	sshll.u32 s0, $0x4  }
0x3: {  	s0 =	stileid.u32;
	s1 =	sand.u32 $0x10, s1  }
0x4: {  	s1 =	sor.u32 s0, s1  }
0x5: {  	s6 =	rddreg [dreg:$0x0];
	s4 =	simm.s32 $0x1;
	s2 =	sshll.u32 s1, $0x7  }
0x6: {  	s7 =	simm.s32 $0x2;
	s12 =	simm.s32 $0x0;
	s1 =	ssub.s32 $0x4000, s2  }
0x7: {  	s8 =	simm.s32 $0x20000;
	s13 =	simm.s32 $0x0;
	s3 =	sand.u32 $0xF80, s1  }
0x8: {  	s9 =	simm.s32 $0x0;
	s5 =	sshrl.u32 s1, $0xC;
	p0 =	sne.s32 s3, $0x0  }
.Ltmp0:
0x9: {  	s1 =	rddreg [dreg:$0x2];
	s4 =	simm.s32 @!p0 $0x0;
	(pc) =	sbr.rel .LBB1_1-.Ltmp0, $4  }
0xa: {  	s11 =	simm.s32 $0x0;
	s3 =	rddreg [dreg:$0x1];
	s5 =	sadd.s32 s4, s5  }
0xb: {  	_ =	strace $0x8000004A;
	s4 =	simm.s32 $0x1;
	s5 =	smul.u32 $0xC8, s5  }
0xc: {  	s6 =	sadd.s32 $0x80E00, s6;
	s10 =	smov.u32 s2;
	[sflag:s4] =	ssyncpa.u1 $0x0  }
0xd: {  	p0 =	por $0x0, $0x0;
	[sflag:s7] =	ssyncpa.u1 $0x0;
	s7 =	sor.u32 $0x1, s5  }
.LBB1_4:
0xe: {  	s16 =	sshll.u32 s13, $0x3;
	s17 =	sand.u32 $0x78, s13  }
0xf: {  	s30 =	sand.u32 $0x1F800, s13;
	s12 =	sshll.u32 s12, $0x11;
	s16 =	sand.u32 $0x3C00, s16  }
0x10: {  	[tilespmem:s15+$0x810 ss:$0x81] =	vst.msk $0xffff, v2;
	s31 =	sand.u32 $0x7, s13;
	s16 =	sor.u32 s17, s16;
	s17 =	sadd.s32 s3, s30  }
0x11: {  	[tilespmem:s15+$0x1020 ss:$0x81] =	vst.msk $0xffff, v0;
	s13 =	sshll.u32 s31, $0x12;
	s12 =	sadd.s32 s12, s17;
	s16 =	sshrl.u32 s16, $0x3  }
0x12: {  	[tilespmem:s15+$0x0 ss:$0x81] =	vst.msk $0xffff, v1;
	s13 =	sor.u32 $0x400, s13;
	s12 =	sadd.s32 s16, s12  }
0x13: {  	[hbm4b:s12+s13] =	stream.strided.scatter [tilespmem:s14], [sflag:$0x2], $0x2000, s8, s13, $0x20;
	[tilespmem:$0x8080] =	vst v63  }
.LBB1_5:
0x14: {  	s14 =	sadd.s32 $0x1, s9  }
0x15: {  	s12 =	sadd.s32 $0x1000, s10;
	s16 =	smov.u32 s10;
	p2 =	sgt.s32 s14, $0xC7  }
0x16: {  	s16 =	smov.u32 @p2 s12  }
0x17: {  	s14 =	simm.s32 @p2 $0x0;
	p2 =	sgt.s32 s16, $0x3FFF  }
0x18: {  	s16 =	smov.u32 @p2 s2;
	p2 =	sne.s32 s11, s7  }
.Ltmp1:
0x19: {  	p1 =	slt.u32 s11, $0x2;
	(pc) =	sbr.rel @!p2 .LBB1_6-.Ltmp1, $4  }
0x1a: {  	s15 =	simm.s32 @!p1 $0x2  }
0x1b: {  	s13 =	smov.u32 s10;
	p0 =	por !p0, !p0;
	_ =	swait.ge @!p1 [sflag:s15], $0x2000  }
0x1c: {  	s12 =	smov.u32 s9;
	[sflag:s15] =	ssyncset.done @!p1 $0x0;
	s9 =	smov.u32 s14  }
0x1d: {  	s11 =	sadd.s32 $0x1, s11;
	[sflag:s15] =	ssyncadd.s32 @!p1 $0xFFFFE000;
	s10 =	smov.u32 s16  }
.LBB1_1:
0x1e: {  	p1 =	sge.u32 s11, s5  }
0x1f: {  	s14 =	sand.u32 @!p1 $0x1FFFFFF, s9  }
0x20: {  	s15 =	smulhi.u32 @!p1 $0x147AE15, s14;
	_ =	sdelay $0x1  }
0x21: {  	s15 =	smul.u32 @!p1 $0xC8, s15  }
0x22: {  	s16 =	sxor.u32 @!p1 $0xFFFFFFFF, s11;
	s17 =	smul.u32 @!p1 $0xC80, s10  }
0x23: {  	s31 =	sadd.s32 $0xFFFFFFFF, s11;
	s16 =	sshll.u32 @!p1 s16, $0xD;
	s14 =	ssub.s32 @!p1 s14, s15  }
0x24: {  	s15 =	sand.u32 @!p1 $0x2000, s16;
	s16 =	sadd.s32 @!p1 s6, s17;
	s14 =	sshll.u32 @!p1 s14, $0x4  }
0x25: {  	s17 =	simm.s32 @!p1 $0x6400;
	s14 =	sadd.s32 @!p1 s14, s16;
	s16 =	simm.s32 @!p1 $0x40  }
0x26: {  	[tilespmem:s15], [sflag:$0x1] =	stream.strided.gather @!p1 [hbm4b:s14+s16], $0x2000, s17, s16, $0x38;
	[tilespmem:$0x8080] =	vst v63  }
0x27: {  	p1 =	sge.u32 s31, s5  }
.Ltmp2:
0x28: {  	_ = 	snop;
	(pc) =	sbr.rel @p1 .LBB1_5-.Ltmp2, $1  }
0x29: {  	_ =	sdelay $0x3  }
0x2a: {  	s14 =	simm.s32 $0x1  }
0x2b: {  	_ =	swait.ge [sflag:s4], $0x2000;
	s14 =	simm.s32 @!p0 $0x0  }
0x2c: {  	[sflag:s4] =	ssyncset.done $0x0;
	s15 =	sshll.u32 s14, $0xD  }
0x2d: {  	[sflag:s4] =	ssyncadd.s32 $0xFFFFE000;
	s18 =	sor.u32 $0x20, s15  }
0x2e: {  	s14 =	smul.u32 $0x8100, s14;
	v3 =	vld [tilespmem:s18+$0x10]  }
0x2f: {  	s30 =	sand.u32 $0x1, s11;
	v2 =	vld [tilespmem:s18+$0xFFFFFFF0]  }
0x30: {  	s15 =	smul.u32 $0x8100, s30;
	s14 =	sshrl.u32 s14, $0x2;
	v0 =	vld [tilespmem:s18+$0x0]  }
0x31: {  	v1 =	vld [tilespmem:s18+$0xFFFFFFE0];
	s16 =	sor.u32 $0x4000, s14  }
0x32: {  	s31 =	sshrl.u32 s15, $0x2;
	s15 =	sadd.s32 $0x0, s16  }
0x33: {  	s17 =	simm.s32 $0x4;
	s18 =	sadd.s32 $0x40, s18;
	s14 =	sor.u32 $0x4000, s31;
	[tilespmem:s15+$0x1830 ss:$0x81] =	vst.msk $0xffff, v3  }
.LBB1_3:
0x34: {  	v3 =	vld [tilespmem:s18+$0x10];
	p1 =	sne.s32 s17, $0x1FC;
	[tilespmem:s15+$0x810 ss:$0x81] =	vst.msk $0xffff, v2;
	s19 =	smov.u32 s17;
	s17 =	sadd.s32 $0x4, s17  }
.Ltmp3:
0x35: {  	v2 =	vld [tilespmem:s18+$0xFFFFFFF0];
	[tilespmem:s15+$0x1020 ss:$0x81] =	vst.msk $0xffff, v0;
	(pc) =	sbr.rel @p1 .LBB1_3-.Ltmp3, $4  }
0x36: {  	v0 =	vld [tilespmem:s18+$0x0];
	[tilespmem:s15+$0x0 ss:$0x81] =	vst.msk $0xffff, v1  }
0x37: {  	s15 =	sshra.s32 s19, $0x2;
	v1 =	vld [tilespmem:s18+$0xFFFFFFE0]  }
0x38: {  	s15 =	sadd.s32 s15, s16  }
0x39: {  	s18 =	sadd.s32 $0x40, s18;
	[tilespmem:s15+$0x1830 ss:$0x81] =	vst.msk $0xffff, v3  }
.Ltmp4:
0x3a: {  	_ = 	snop;
	(pc) =	sbr.rel .LBB1_4-.Ltmp4, $1  }
0x3b: {  	_ =	sdelay $0x3  }
.LBB1_6:
0x3c: {  	_ =	sfence.sel $0x180000  }
0x3d: {  	s2 =	simm.s32 $0x1;
	[bflag:$0x0] =	sbarrier.arrive $0xFFFF  }
0x3e: {  	s31 =	simm.s32 $0x2;
	[sflag:s2] =	ssyncpa.u1 $0x1  }
0x3f: {  	[sflag:s31] =	ssyncpa.u1 $0x1  }
0x40: {  	p0 =	sne.s32 s0, $0x0;
	_ =	strace $0x9000004A  }
0x41: {  	s0 =	sadd.s32 @!p0 $0x100000, s1;
	[bflag:$0x2] =	sbarrier.arrive $0xFFFF  }
0x42: {  	[sflag:s0] =	ssyncadd.tile.s32 @!p0 $0x1;
	_ =	shalt  }
.Lfunc_end1:
_tile_overlayer_lowered:
.L_overlay_start_2:
0x43: {  	(tag) =	ssettag $0x2  }
0x44: {  	s0 =	rddreg [dreg:$0x0];
	s2 =	stileid.u32  }
0x45: {  	s1 =	rddreg [dreg:$0x1];
	p0 =	sne.s32 s2, $0x0  }
0x46: {  	s3 =	rddreg [dreg:$0x2];
	[bflag:$0x3] =	sbarrier.arrive $0xFFFF;
	s2 =	simm.s32 @!p0 $0x1C01  }
0x47: {  	[timem:s3], [sflag:s2] =	dma.local @!p0 [hbm:s0], s1  }
0x48: {  	s0 =	simm.s32 @!p0 $0x1  }
0x49: {  	_ =	swait.ge @!p0 [sflag:s0], s1  }
0x4a: {  	s1 =	ssub.s32 @!p0 $0x0, s1;
	[sflag:s0] =	ssyncset.done @!p0 $0x0  }
0x4b: {  	[sflag:s0] =	ssyncadd.s32 @!p0 s1  }
0x4c: {  	[bflag:$0x3] =	sbarrier.arrive $0xFFFF  }
0x4d: {  	_ =	shalt  }

</sc_bundles>
